<compile_context>
chip_gen: v7x
topology: tpu7x:2x2x1
jax: 0.10.2.dev20260603
libtpu: 0.0.44.dev20260713+nightly
codegen_flags: <defaults>
</compile_context>

<pallas_src>
import functools

import jax
import jax.numpy as jnp
from jax import lax
from jax.experimental import pallas as pl
from jax.experimental.pallas import tpu as pltpu
from jax.experimental.pallas import tpu_sc as plsc

D = 768
E = 8
NT = 2048
BT = 512
NTILES = NT // BT
W_MAX = NTILES + E - 1
LSUB = 128
NC, NS = 2, 16
NW = NC * NS
CHUNK = NT // NW

_INV_SQRT2 = 0.7071067811865476


def _gelu_exact(h):
    return 0.5 * h * (1.0 + lax.erf(h * _INV_SQRT2))



WPAD = 32


def _gating_body(x_ref, gw_ref, gb_ref, pos_ref, wrow_ref, meta_ref):
    x = x_ref[...]
    logits = jnp.dot(x, gw_ref[...], preferred_element_type=jnp.float32)
    logits = logits + gb_ref[...]
    m = jnp.max(logits, axis=-1, keepdims=True)
    ex = jnp.exp(logits - m)
    probs = ex / jnp.sum(ex, axis=-1, keepdims=True)
    assign = jnp.argmax(probs, axis=-1)
    wmax = jnp.max(probs, axis=-1, keepdims=True)
    wrow_ref[...] = jnp.broadcast_to(wmax, (NT, LSUB))

    onehot = (lax.broadcasted_iota(jnp.int32, (NT, E), 1)
              == assign[:, None]).astype(jnp.int32)
    c = onehot
    k = 1
    while k < NT:
        shifted = jnp.concatenate(
            [jnp.zeros((k, E), jnp.int32), c[: NT - k, :]], axis=0)
        c = c + shifted
        k *= 2
    counts_row = c[NT - 1:NT, :]
    def _shift_lanes(v, k):
        return jnp.concatenate(
            [jnp.zeros((1, k), jnp.int32), v[:, : E - k]], axis=1)

    offs = _shift_lanes(counts_row, 1)
    offs = offs + _shift_lanes(offs, 1)
    offs = offs + _shift_lanes(offs, 2)
    offs = offs + _shift_lanes(offs, 4)
    pos = jnp.sum(onehot * (c - 1 + offs), axis=1, keepdims=True)
    pos_ref[...] = pos

    incl = offs + counts_row
    ts = offs // BT
    te = jnp.where(counts_row > 0, (incl + BT - 1) // BT, ts)
    ntl = te - ts
    incl_t = ntl + _shift_lanes(ntl, 1)
    incl_t = incl_t + _shift_lanes(incl_t, 2)
    incl_t = incl_t + _shift_lanes(incl_t, 4)
    excl_t = incl_t - ntl

    eye = (lax.broadcasted_iota(jnp.int32, (E, E), 0)
           == lax.broadcasted_iota(jnp.int32, (E, E), 1)).astype(jnp.int32)

    def to_sub(v):
        return jnp.sum(jnp.broadcast_to(v, (E, E)) * eye, axis=1,
                       keepdims=True)

    wl = lax.broadcasted_iota(jnp.int32, (E, WPAD), 1)
    sub = lax.broadcasted_iota(jnp.int32, (E, WPAD), 0)
    g = jnp.minimum(
        jnp.sum((wl >= to_sub(incl_t)).astype(jnp.int32), axis=0,
                keepdims=True), E - 1)
    sel = (sub == jnp.broadcast_to(g, (E, WPAD))).astype(jnp.int32)

    def gath(v):
        return jnp.sum(to_sub(v) * sel, axis=0, keepdims=True)

    wr = lax.broadcasted_iota(jnp.int32, (1, WPAD), 1)
    tt = gath(ts) + (wr - gath(excl_t))
    valid = wr < jnp.sum(ntl, axis=1, keepdims=True)
    tt = jnp.where(valid, tt, NTILES - 1)
    rs = jnp.where(valid, jnp.maximum(gath(offs), tt * BT) - tt * BT, 0)
    re = jnp.where(valid,
                   jnp.minimum(gath(incl), tt * BT + BT) - tt * BT, 0)
    meta_ref[...] = jnp.concatenate([g, tt, rs, re], axis=0)


def _gating(x_flat, gate_w, gate_b):
    return pl.pallas_call(
        _gating_body,
        in_specs=[
            pl.BlockSpec((NT, D), lambda: (0, 0)),
            pl.BlockSpec((D, E), lambda: (0, 0)),
            pl.BlockSpec((1, E), lambda: (0, 0)),
        ],
        out_specs=[
            pl.BlockSpec((NT, 1), lambda: (0, 0)),
            pl.BlockSpec((NT, LSUB), lambda: (0, 0)),
            pl.BlockSpec((4, WPAD), lambda: (0, 0)),
        ],
        out_shape=[
            jax.ShapeDtypeStruct((NT, 1), jnp.int32),
            jax.ShapeDtypeStruct((NT, LSUB), jnp.float32),
            jax.ShapeDtypeStruct((4, WPAD), jnp.int32),
        ],
    )(x_flat, gate_w, gate_b.reshape(1, E))



def _sc_worker_base():
    wid = lax.axis_index("s") * NC + lax.axis_index("c")
    return wid * CHUNK


@functools.cache
def _sc_kernels():
    mesh = plsc.VectorSubcoreMesh(
        core_axis_name="c", subcore_axis_name="s",
        num_cores=NC, num_subcores=NS)

    @functools.partial(
        pl.kernel,
        out_type=[
            jax.ShapeDtypeStruct((NT, D), jnp.float32),
            jax.ShapeDtypeStruct((NT, LSUB), jnp.float32),
        ],
        mesh=mesh,
        scratch_types=[
            pltpu.VMEM((CHUNK,), jnp.int32),
            pltpu.VMEM((CHUNK, D), jnp.float32),
            pltpu.VMEM((CHUNK, LSUB), jnp.float32),
            pltpu.SemaphoreType.DMA,
            pltpu.SemaphoreType.DMA,
        ],
    )
    def sc_scatter(x_hbm, pos_hbm, wrow_hbm, xs_hbm, ws_hbm,
                   idx_v, rows_v, wv, sem1, sem2):
        base = _sc_worker_base()
        pltpu.sync_copy(pos_hbm.at[pl.ds(base, CHUNK)], idx_v)
        pltpu.sync_copy(x_hbm.at[pl.ds(base, CHUNK)], rows_v)
        pltpu.sync_copy(wrow_hbm.at[pl.ds(base, CHUNK)], wv)
        cp1 = pltpu.async_copy(rows_v, xs_hbm.at[idx_v], sem1)
        cp2 = pltpu.async_copy(wv, ws_hbm.at[idx_v], sem2)
        cp1.wait()
        cp2.wait()

    @functools.partial(
        pl.kernel,
        out_type=jax.ShapeDtypeStruct((NT, D), jnp.float32),
        mesh=mesh,
        scratch_types=[
            pltpu.VMEM((CHUNK,), jnp.int32),
            pltpu.VMEM((CHUNK, D), jnp.float32),
            pltpu.SemaphoreType.DMA,
        ],
    )
    def sc_gather(y_hbm, pos_hbm, out_hbm, idx_v, rows_v, sem):
        base = _sc_worker_base()
        pltpu.sync_copy(pos_hbm.at[pl.ds(base, CHUNK)], idx_v)
        pltpu.async_copy(y_hbm.at[idx_v], rows_v, sem).wait()
        pltpu.sync_copy(rows_v, out_hbm.at[pl.ds(base, CHUNK)])

    return sc_scatter, sc_gather



def _ffn_body(meta_ref,
              xs_ref, w1_ref, b1_ref, w2_ref, b2_ref, ws_ref, out_ref):
    w = pl.program_id(0)
    rs = meta_ref[2, w]
    re = meta_ref[3, w]

    @pl.when(rs < re)
    def _work():
        xt = xs_ref[...]
        h = jnp.dot(xt, w1_ref[0], preferred_element_type=jnp.float32)
        h = _gelu_exact(h + b1_ref[0])
        y = jnp.dot(h, w2_ref[0], preferred_element_type=jnp.float32)
        y = (y + b2_ref[0]) * ws_ref[...][:, :1]
        row = lax.broadcasted_iota(jnp.int32, (BT, 1), 0)
        mask = (row >= rs) & (row < re)
        out_ref[...] = jnp.where(mask, y, out_ref[...])


def _grouped_ffn(meta, x_sorted, w1, b1, w2, b2, w_sorted):
    grid_spec = pltpu.PrefetchScalarGridSpec(
        num_scalar_prefetch=1,
        grid=(W_MAX,),
        in_specs=[
            pl.BlockSpec((BT, D), lambda w, m: (m[1, w], 0)),
            pl.BlockSpec((1, D, D), lambda w, m: (m[0, w], 0, 0)),
            pl.BlockSpec((1, 1, D), lambda w, m: (m[0, w], 0, 0)),
            pl.BlockSpec((1, D, D), lambda w, m: (m[0, w], 0, 0)),
            pl.BlockSpec((1, 1, D), lambda w, m: (m[0, w], 0, 0)),
            pl.BlockSpec((BT, LSUB), lambda w, m: (m[1, w], 0)),
        ],
        out_specs=pl.BlockSpec((BT, D), lambda w, m: (m[1, w], 0)),
    )
    return pl.pallas_call(
        _ffn_body,
        grid_spec=grid_spec,
        out_shape=jax.ShapeDtypeStruct((NT, D), jnp.float32),
        compiler_params=pltpu.CompilerParams(
            dimension_semantics=("arbitrary",),
        ),
    )(meta, x_sorted, w1, b1.reshape(E, 1, D), w2, b2.reshape(E, 1, D),
      w_sorted)


def kernel(x, gate_w, gate_b, w1, b1, w2, b2):
    n, t, d = x.shape
    x_flat = x.reshape(n * t, d)

    sc_scatter, sc_gather = _sc_kernels()
    pos2d, wrow, meta = _gating(x_flat, gate_w, gate_b)
    pos = pos2d.reshape(NT)
    x_sorted, w_sorted = sc_scatter(x_flat, pos, wrow)
    y_sorted = _grouped_ffn(meta, x_sorted, w1, b1, w2, b2, w_sorted)
    out = sc_gather(y_sorted, pos)
    return out.reshape(n, t, d)

# --- scband reference (transcript-rebuilt; emitter-appended) ---
"""Pipeline reference for scband-sparse-mo-e-23021024707547 (READ-ONLY COPY).

The authoritative reference and input builder live on the scoring server;
editing this copy changes nothing except your own understanding.
"""

import jax, jax.numpy as jnp
import numpy as np

D = 768
E = 8
N, T = 1, 2048


def setup_inputs(seed: int = 0) -> dict:
    key = jax.random.key(seed)
    ks = jax.random.split(key, 8)
    x = jax.random.normal(ks[0], (N, T, D), dtype=jnp.float32)
    gate_w = jax.random.normal(ks[1], (D, E), dtype=jnp.float32) * 0.02
    gate_b = jnp.zeros((E,), dtype=jnp.float32)
    w1 = jax.random.normal(ks[2], (E, D, D), dtype=jnp.float32) * 0.02
    b1 = jnp.zeros((E, D), dtype=jnp.float32)
    w2 = jax.random.normal(ks[3], (E, D, D), dtype=jnp.float32) * 0.02
    b2 = jnp.zeros((E, D), dtype=jnp.float32)
    return {"x": x, "gate_w": gate_w, "gate_b": gate_b, "w1": w1, "b1": b1, "w2": w2, "b2": b2}


def reference(x, gate_w, gate_b, w1, b1, w2, b2):
    n, t, d = x.shape
    x_flat = x.reshape(n * t, d)
    # gating softmax and top-1 assignment
    logits = x_flat @ gate_w + gate_b
    probs = jax.nn.softmax(logits, axis=-1)  # [NT, E]
    assignments = jnp.argmax(probs, axis=-1)  # [NT]
    # compute ALL experts (faithful to the torch module; dropout is identity in eval)
    h = jnp.einsum('nd,edf->enf', x_flat, w1) + b1[:, None, :]
    h = jax.nn.gelu(h, approximate=False)
    expert_outs = jnp.einsum('enf,efg->eng', h, w2) + b2[:, None, :]  # [E, NT, D]
    # gather selected expert output per token
    selected = jnp.take_along_axis(expert_outs, assignments[None, :, None], axis=0)[0]  # [NT, D]
    w = jnp.take_along_axis(probs, assignments[:, None], axis=1)  # [NT, 1]
    output = w * selected
    return output.reshape(n, t, d)

if __name__ == "__main__":
    import jax
    _d = setup_inputs()
    print(jax.jit(kernel)(*tuple(_d.values())))

</pallas_src>

<mosaic_0001>
#map = affine_map<(d0, d1) -> (0, 0)>
#map1 = affine_map<(d0, d1) -> (0)>
module attributes {stable_mosaic.version = 14 : i64} {
  func.func @sc_gather(%arg0: i32, %arg1: i32, %arg2: memref<2048x768xf32, #tpu.memory_space<hbm>>, %arg3: memref<2048xi32, #tpu.memory_space<hbm>>, %arg4: memref<2048x768xf32, #tpu.memory_space<hbm>>, %arg5: memref<64xi32, #tpu.memory_space<vmem>>, %arg6: memref<64x768xf32, #tpu.memory_space<vmem>>, %arg7: memref<!tpu.dma_semaphore, #tpu.memory_space<semaphore_mem>>) attributes {dimension_semantics = [#tpu.dimension_semantics<core_parallel>, #tpu.dimension_semantics<subcore_parallel>], iteration_bounds = array<i64: 2, 16>, scalar_prefetch = 0 : i64, scratch_operands = 3 : i64, tpu.core_type = #tpu.core_type<sc_vector_subcore>, window_params = [{transform_indices = #map}, {transform_indices = #map1}, {transform_indices = #map}]} {
    %mul3A = arith.constant 2 : i32
    %mul3A_0 = arith.muli %arg1, %mul3A : i32
    %add3A = arith.addi %mul3A_0, %arg0 : i32
    %mul3A_1 = arith.constant 64 : i32
    %mul3A_2 = arith.muli %add3A, %mul3A_1 : i32
    "tpu.region"() ({
      %run_scoped3A = tpu.sem_alloc : memref<!tpu.dma_semaphore, #tpu.memory_space<semaphore_mem>>
      %dma_start3A_7 = tpu.memref_slice %arg3[%mul3A_2] : memref<2048xi32, #tpu.memory_space<hbm>> -> memref<64xi32, #tpu.memory_space<hbm>>
      %dma_start3A_8 = tpu.memref_slice %arg3[%mul3A_2] : memref<2048xi32, #tpu.memory_space<hbm>> -> memref<64xi32, #tpu.memory_space<hbm>>
      tpu.enqueue_dma source(%dma_start3A_8 : memref<64xi32, #tpu.memory_space<hbm>>) target(%arg5 : memref<64xi32, #tpu.memory_space<vmem>>) target_semaphore(%run_scoped3A : memref<!tpu.dma_semaphore, #tpu.memory_space<semaphore_mem>>)
      %dma_wait3A_9 = tpu.memref_slice %arg3[%mul3A_2] : memref<2048xi32, #tpu.memory_space<hbm>> -> memref<64xi32, #tpu.memory_space<hbm>>
      %dma_wait3A_10 = tpu.memref_slice %arg3[%mul3A_2] : memref<2048xi32, #tpu.memory_space<hbm>> -> memref<64xi32, #tpu.memory_space<hbm>>
      tpu.wait_dma2 semaphore(%run_scoped3A : memref<!tpu.dma_semaphore, #tpu.memory_space<semaphore_mem>>) src(%dma_wait3A_10 : memref<64xi32, #tpu.memory_space<hbm>>) dst(%arg5 : memref<64xi32, #tpu.memory_space<vmem>>)
      tpu.yield
    }) : () -> ()
    %dma_start3A = arith.constant 0 : i32
    %dma_start3A_3 = arith.constant 0 : i32
    %dma_start3A_4 = tpu.memref_slice %arg2[%dma_start3A, %dma_start3A_3] : memref<2048x768xf32, #tpu.memory_space<hbm>> -> memref<2048x768xf32, #tpu.memory_space<hbm>>
    tpu.enqueue_indirect_dma source(%dma_start3A_4 : memref<2048x768xf32, #tpu.memory_space<hbm>>) target(%arg6 : memref<64x768xf32, #tpu.memory_space<vmem>>) offsets(%arg5 : memref<64xi32, #tpu.memory_space<vmem>>) semaphore(%arg7 : memref<!tpu.dma_semaphore, #tpu.memory_space<semaphore_mem>>)
    %dma_wait3A = arith.constant 0 : i32
    %dma_wait3A_5 = arith.constant 0 : i32
    %dma_wait3A_6 = tpu.memref_slice %arg2[%dma_wait3A, %dma_wait3A_5] : memref<2048x768xf32, #tpu.memory_space<hbm>> -> memref<2048x768xf32, #tpu.memory_space<hbm>>
    tpu.wait_indirect_dma semaphore(%arg7 : memref<!tpu.dma_semaphore, #tpu.memory_space<semaphore_mem>>) src(%dma_wait3A_6 : memref<2048x768xf32, #tpu.memory_space<hbm>>) dst(%arg6 : memref<64x768xf32, #tpu.memory_space<vmem>>)
    "tpu.region"() ({
      %run_scoped3A = tpu.sem_alloc : memref<!tpu.dma_semaphore, #tpu.memory_space<semaphore_mem>>
      %dma_start3A_7 = arith.constant 0 : i32
      %dma_start3A_8 = tpu.memref_slice %arg4[%mul3A_2, %dma_start3A_7] : memref<2048x768xf32, #tpu.memory_space<hbm>> -> memref<64x768xf32, #tpu.memory_space<hbm>>
      %dma_start3A_9 = arith.constant 0 : i32
      %dma_start3A_10 = tpu.memref_slice %arg4[%mul3A_2, %dma_start3A_9] : memref<2048x768xf32, #tpu.memory_space<hbm>> -> memref<64x768xf32, #tpu.memory_space<hbm>>
      tpu.enqueue_dma source(%arg6 : memref<64x768xf32, #tpu.memory_space<vmem>>) target(%dma_start3A_10 : memref<64x768xf32, #tpu.memory_space<hbm>>) target_semaphore(%run_scoped3A : memref<!tpu.dma_semaphore, #tpu.memory_space<semaphore_mem>>)
      %dma_wait3A_11 = arith.constant 0 : i32
      %dma_wait3A_12 = tpu.memref_slice %arg4[%mul3A_2, %dma_wait3A_11] : memref<2048x768xf32, #tpu.memory_space<hbm>> -> memref<64x768xf32, #tpu.memory_space<hbm>>
      %dma_wait3A_13 = arith.constant 0 : i32
      %dma_wait3A_14 = tpu.memref_slice %arg4[%mul3A_2, %dma_wait3A_13] : memref<2048x768xf32, #tpu.memory_space<hbm>> -> memref<64x768xf32, #tpu.memory_space<hbm>>
      tpu.wait_dma2 semaphore(%run_scoped3A : memref<!tpu.dma_semaphore, #tpu.memory_space<semaphore_mem>>) src(%arg6 : memref<64x768xf32, #tpu.memory_space<vmem>>) dst(%dma_wait3A_14 : memref<64x768xf32, #tpu.memory_space<hbm>>)
      tpu.yield
    }) : () -> ()
    return
  }
}

#map = affine_map<(d0, d1) -> (0, 0)>
#map1 = affine_map<(d0, d1) -> (0)>
module attributes {stable_mosaic.version = 14 : i64} {
  func.func @sc_scatter(%arg0: i32, %arg1: i32, %arg2: memref<2048x768xf32, #tpu.memory_space<hbm>>, %arg3: memref<2048xi32, #tpu.memory_space<hbm>>, %arg4: memref<2048x128xf32, #tpu.memory_space<hbm>>, %arg5: memref<2048x768xf32, #tpu.memory_space<hbm>>, %arg6: memref<2048x128xf32, #tpu.memory_space<hbm>>, %arg7: memref<64xi32, #tpu.memory_space<vmem>>, %arg8: memref<64x768xf32, #tpu.memory_space<vmem>>, %arg9: memref<64x128xf32, #tpu.memory_space<vmem>>, %arg10: memref<!tpu.dma_semaphore, #tpu.memory_space<semaphore_mem>>, %arg11: memref<!tpu.dma_semaphore, #tpu.memory_space<semaphore_mem>>) attributes {dimension_semantics = [#tpu.dimension_semantics<core_parallel>, #tpu.dimension_semantics<subcore_parallel>], iteration_bounds = array<i64: 2, 16>, scalar_prefetch = 0 : i64, scratch_operands = 5 : i64, tpu.core_type = #tpu.core_type<sc_vector_subcore>, window_params = [{transform_indices = #map}, {transform_indices = #map1}, {transform_indices = #map}, {transform_indices = #map}, {transform_indices = #map}]} {
    %mul3A = arith.constant 2 : i32
    %mul3A_0 = arith.muli %arg1, %mul3A : i32
    %add3A = arith.addi %mul3A_0, %arg0 : i32
    %mul3A_1 = arith.constant 64 : i32
    %mul3A_2 = arith.muli %add3A, %mul3A_1 : i32
    "tpu.region"() ({
      %run_scoped3A = tpu.sem_alloc : memref<!tpu.dma_semaphore, #tpu.memory_space<semaphore_mem>>
      %dma_start3A_13 = tpu.memref_slice %arg3[%mul3A_2] : memref<2048xi32, #tpu.memory_space<hbm>> -> memref<64xi32, #tpu.memory_space<hbm>>
      %dma_start3A_14 = tpu.memref_slice %arg3[%mul3A_2] : memref<2048xi32, #tpu.memory_space<hbm>> -> memref<64xi32, #tpu.memory_space<hbm>>
      tpu.enqueue_dma source(%dma_start3A_14 : memref<64xi32, #tpu.memory_space<hbm>>) target(%arg7 : memref<64xi32, #tpu.memory_space<vmem>>) target_semaphore(%run_scoped3A : memref<!tpu.dma_semaphore, #tpu.memory_space<semaphore_mem>>)
      %dma_wait3A_15 = tpu.memref_slice %arg3[%mul3A_2] : memref<2048xi32, #tpu.memory_space<hbm>> -> memref<64xi32, #tpu.memory_space<hbm>>
      %dma_wait3A_16 = tpu.memref_slice %arg3[%mul3A_2] : memref<2048xi32, #tpu.memory_space<hbm>> -> memref<64xi32, #tpu.memory_space<hbm>>
      tpu.wait_dma2 semaphore(%run_scoped3A : memref<!tpu.dma_semaphore, #tpu.memory_space<semaphore_mem>>) src(%dma_wait3A_16 : memref<64xi32, #tpu.memory_space<hbm>>) dst(%arg7 : memref<64xi32, #tpu.memory_space<vmem>>)
      tpu.yield
    }) : () -> ()
    "tpu.region"() ({
      %run_scoped3A = tpu.sem_alloc : memref<!tpu.dma_semaphore, #tpu.memory_space<semaphore_mem>>
      %dma_start3A_13 = arith.constant 0 : i32
      %dma_start3A_14 = tpu.memref_slice %arg2[%mul3A_2, %dma_start3A_13] : memref<2048x768xf32, #tpu.memory_space<hbm>> -> memref<64x768xf32, #tpu.memory_space<hbm>>
      %dma_start3A_15 = arith.constant 0 : i32
      %dma_start3A_16 = tpu.memref_slice %arg2[%mul3A_2, %dma_start3A_15] : memref<2048x768xf32, #tpu.memory_space<hbm>> -> memref<64x768xf32, #tpu.memory_space<hbm>>
      tpu.enqueue_dma source(%dma_start3A_16 : memref<64x768xf32, #tpu.memory_space<hbm>>) target(%arg8 : memref<64x768xf32, #tpu.memory_space<vmem>>) target_semaphore(%run_scoped3A : memref<!tpu.dma_semaphore, #tpu.memory_space<semaphore_mem>>)
      %dma_wait3A_17 = arith.constant 0 : i32
      %dma_wait3A_18 = tpu.memref_slice %arg2[%mul3A_2, %dma_wait3A_17] : memref<2048x768xf32, #tpu.memory_space<hbm>> -> memref<64x768xf32, #tpu.memory_space<hbm>>
      %dma_wait3A_19 = arith.constant 0 : i32
      %dma_wait3A_20 = tpu.memref_slice %arg2[%mul3A_2, %dma_wait3A_19] : memref<2048x768xf32, #tpu.memory_space<hbm>> -> memref<64x768xf32, #tpu.memory_space<hbm>>
      tpu.wait_dma2 semaphore(%run_scoped3A : memref<!tpu.dma_semaphore, #tpu.memory_space<semaphore_mem>>) src(%dma_wait3A_20 : memref<64x768xf32, #tpu.memory_space<hbm>>) dst(%arg8 : memref<64x768xf32, #tpu.memory_space<vmem>>)
      tpu.yield
    }) : () -> ()
    "tpu.region"() ({
      %run_scoped3A = tpu.sem_alloc : memref<!tpu.dma_semaphore, #tpu.memory_space<semaphore_mem>>
      %dma_start3A_13 = arith.constant 0 : i32
      %dma_start3A_14 = tpu.memref_slice %arg4[%mul3A_2, %dma_start3A_13] : memref<2048x128xf32, #tpu.memory_space<hbm>> -> memref<64x128xf32, #tpu.memory_space<hbm>>
      %dma_start3A_15 = arith.constant 0 : i32
      %dma_start3A_16 = tpu.memref_slice %arg4[%mul3A_2, %dma_start3A_15] : memref<2048x128xf32, #tpu.memory_space<hbm>> -> memref<64x128xf32, #tpu.memory_space<hbm>>
      tpu.enqueue_dma source(%dma_start3A_16 : memref<64x128xf32, #tpu.memory_space<hbm>>) target(%arg9 : memref<64x128xf32, #tpu.memory_space<vmem>>) target_semaphore(%run_scoped3A : memref<!tpu.dma_semaphore, #tpu.memory_space<semaphore_mem>>)
      %dma_wait3A_17 = arith.constant 0 : i32
      %dma_wait3A_18 = tpu.memref_slice %arg4[%mul3A_2, %dma_wait3A_17] : memref<2048x128xf32, #tpu.memory_space<hbm>> -> memref<64x128xf32, #tpu.memory_space<hbm>>
      %dma_wait3A_19 = arith.constant 0 : i32
      %dma_wait3A_20 = tpu.memref_slice %arg4[%mul3A_2, %dma_wait3A_19] : memref<2048x128xf32, #tpu.memory_space<hbm>> -> memref<64x128xf32, #tpu.memory_space<hbm>>
      tpu.wait_dma2 semaphore(%run_scoped3A : memref<!tpu.dma_semaphore, #tpu.memory_space<semaphore_mem>>) src(%dma_wait3A_20 : memref<64x128xf32, #tpu.memory_space<hbm>>) dst(%arg9 : memref<64x128xf32, #tpu.memory_space<vmem>>)
      tpu.yield
    }) : () -> ()
    %dma_start3A = arith.constant 0 : i32
    %dma_start3A_3 = arith.constant 0 : i32
    %dma_start3A_4 = tpu.memref_slice %arg5[%dma_start3A, %dma_start3A_3] : memref<2048x768xf32, #tpu.memory_space<hbm>> -> memref<2048x768xf32, #tpu.memory_space<hbm>>
    tpu.enqueue_indirect_dma source(%arg8 : memref<64x768xf32, #tpu.memory_space<vmem>>) target(%dma_start3A_4 : memref<2048x768xf32, #tpu.memory_space<hbm>>) offsets(%arg7 : memref<64xi32, #tpu.memory_space<vmem>>) semaphore(%arg10 : memref<!tpu.dma_semaphore, #tpu.memory_space<semaphore_mem>>)
    %dma_start3A_5 = arith.constant 0 : i32
    %dma_start3A_6 = arith.constant 0 : i32
    %dma_start3A_7 = tpu.memref_slice %arg6[%dma_start3A_5, %dma_start3A_6] : memref<2048x128xf32, #tpu.memory_space<hbm>> -> memref<2048x128xf32, #tpu.memory_space<hbm>>
    tpu.enqueue_indirect_dma source(%arg9 : memref<64x128xf32, #tpu.memory_space<vmem>>) target(%dma_start3A_7 : memref<2048x128xf32, #tpu.memory_space<hbm>>) offsets(%arg7 : memref<64xi32, #tpu.memory_space<vmem>>) semaphore(%arg11 : memref<!tpu.dma_semaphore, #tpu.memory_space<semaphore_mem>>)
    %dma_wait3A = arith.constant 0 : i32
    %dma_wait3A_8 = arith.constant 0 : i32
    %dma_wait3A_9 = tpu.memref_slice %arg5[%dma_wait3A, %dma_wait3A_8] : memref<2048x768xf32, #tpu.memory_space<hbm>> -> memref<2048x768xf32, #tpu.memory_space<hbm>>
    tpu.wait_indirect_dma semaphore(%arg10 : memref<!tpu.dma_semaphore, #tpu.memory_space<semaphore_mem>>) src(%arg8 : memref<64x768xf32, #tpu.memory_space<vmem>>) dst(%dma_wait3A_9 : memref<2048x768xf32, #tpu.memory_space<hbm>>)
    %dma_wait3A_10 = arith.constant 0 : i32
    %dma_wait3A_11 = arith.constant 0 : i32
    %dma_wait3A_12 = tpu.memref_slice %arg6[%dma_wait3A_10, %dma_wait3A_11] : memref<2048x128xf32, #tpu.memory_space<hbm>> -> memref<2048x128xf32, #tpu.memory_space<hbm>>
    tpu.wait_indirect_dma semaphore(%arg11 : memref<!tpu.dma_semaphore, #tpu.memory_space<semaphore_mem>>) src(%arg9 : memref<64x128xf32, #tpu.memory_space<vmem>>) dst(%dma_wait3A_12 : memref<2048x128xf32, #tpu.memory_space<hbm>>)
    return
  }
}

module attributes {stable_mosaic.version = 14 : i64} {
  func.func @_gating_body(%arg0: memref<2048x768xf32, #tpu.memory_space<vmem>>, %arg1: memref<768x8xf32, #tpu.memory_space<vmem>>, %arg2: memref<1x8xf32, #tpu.memory_space<vmem>>, %arg3: memref<2048x1xi32, #tpu.memory_space<vmem>>, %arg4: memref<2048x128xf32, #tpu.memory_space<vmem>>, %arg5: memref<4x32xi32, #tpu.memory_space<vmem>>) attributes {dimension_semantics = [], scalar_prefetch = 0 : i64, scratch_operands = 0 : i64, tpu.core_type = #tpu.core_type<tc>} {
    %get3A = arith.constant 0 : index
    %get3A_0 = arith.constant 0 : index
    %get3A_1 = vector.load %arg0[%get3A, %get3A_0] : memref<2048x768xf32, #tpu.memory_space<vmem>>, vector<2048x768xf32>
    %get3A_2 = arith.constant 0 : index
    %get3A_3 = arith.constant 0 : index
    %get3A_4 = vector.load %arg1[%get3A_2, %get3A_3] : memref<768x8xf32, #tpu.memory_space<vmem>>, vector<768x8xf32>
    %dot_general3A = arith.constant dense<0.000000e+00> : vector<2048x8xf32>
    %dot_general3A_5 = tpu.matmul %get3A_1, %get3A_4, %dot_general3A {dimension_numbers = #tpu.dot_dimension_numbers<[1], [0], [0], [1], [0, 0, 1, 1], [], []>, transpose_lhs_hint = false} : vector<2048x768xf32>, vector<768x8xf32>, vector<2048x8xf32> -> vector<2048x8xf32>
    %get3A_6 = arith.constant 0 : index
    %get3A_7 = arith.constant 0 : index
    %get3A_8 = vector.load %arg2[%get3A_6, %get3A_7] : memref<1x8xf32, #tpu.memory_space<vmem>>, vector<1x8xf32>
    %add3A = vector.broadcast %get3A_8 : vector<1x8xf32> to vector<2048x8xf32>
    %add3A_9 = arith.addf %dot_general3A_5, %add3A : vector<2048x8xf32>
    %reduce_max3A = arith.constant dense<0xFF800000> : vector<2048xf32>
    %reduce_max3A_10 = vector.multi_reduction <maximumf>, %add3A_9, %reduce_max3A [1] : vector<2048x8xf32> to vector<2048xf32>
    %broadcast_in_dim3A = vector.shape_cast %reduce_max3A_10 : vector<2048xf32> to vector<2048x1xf32>
    %sub3A = vector.broadcast %broadcast_in_dim3A : vector<2048x1xf32> to vector<2048x8xf32>
    %sub3A_11 = arith.subf %add3A_9, %sub3A : vector<2048x8xf32>
    %exp3A = math.exp %sub3A_11 : vector<2048x8xf32>
    %reduce_sum3A = arith.constant dense<0.000000e+00> : vector<2048xf32>
    %reduce_sum3A_12 = vector.multi_reduction <add>, %exp3A, %reduce_sum3A [1] : vector<2048x8xf32> to vector<2048xf32>
    %broadcast_in_dim3A_13 = vector.shape_cast %reduce_sum3A_12 : vector<2048xf32> to vector<2048x1xf32>
    %div3A = vector.broadcast %broadcast_in_dim3A_13 : vector<2048x1xf32> to vector<2048x8xf32>
    %div3A_14 = arith.divf %exp3A, %div3A : vector<2048x8xf32>
    %argmax3A = tpu.reduce_index %div3A_14 {axis = 1 : i32, kind = #tpu.reduction_kind<arg_max>} : vector<2048x8xf32> -> vector<2048xi32>
    %reduce_max3A_15 = arith.constant dense<0xFF800000> : vector<2048xf32>
    %reduce_max3A_16 = vector.multi_reduction <maximumf>, %div3A_14, %reduce_max3A_15 [1] : vector<2048x8xf32> to vector<2048xf32>
    %broadcast_in_dim3A_17 = vector.shape_cast %reduce_max3A_16 : vector<2048xf32> to vector<2048x1xf32>
    %broadcast_in_dim3A_18 = vector.shape_cast %broadcast_in_dim3A_17 : vector<2048x1xf32> to vector<2048x1xf32>
    %broadcast_in_dim3A_19 = vector.broadcast %broadcast_in_dim3A_18 : vector<2048x1xf32> to vector<2048x128xf32>
    %swap3A = arith.constant 0 : index
    %swap3A_20 = arith.constant 0 : index
    %swap3A_21 = vector.load %arg4[%swap3A, %swap3A_20] : memref<2048x128xf32, #tpu.memory_space<vmem>>, vector<2048x128xf32>
    tpu.vector_store %arg4[%swap3A, %swap3A_20], %broadcast_in_dim3A_19 {strides = array<i32>} : memref<2048x128xf32, #tpu.memory_space<vmem>>, vector<2048x128xf32>,
    %iota3A = tpu.iota {dimensions = array<i32: 1>} : vector<2048x8xi32>
    %broadcast_in_dim3A_22 = vector.shape_cast %argmax3A : vector<2048xi32> to vector<2048x1xi32>
    %eq3A = vector.broadcast %broadcast_in_dim3A_22 : vector<2048x1xi32> to vector<2048x8xi32>
    %eq3A_23 = arith.cmpi eq, %iota3A, %eq3A : vector<2048x8xi32>
    %convert_element_type3A = arith.extui %eq3A_23 : vector<2048x8xi1> to vector<2048x8xi32>
    %broadcast_in_dim3A_24 = arith.constant 0 : i32
    %broadcast_in_dim3A_25 = vector.broadcast %broadcast_in_dim3A_24 : i32 to vector<1x8xi32>
    %slice3A = vector.extract_strided_slice %convert_element_type3A {offsets = [0, 0], sizes = [2047, 8], strides = [1, 1]} : vector<2048x8xi32> to vector<2047x8xi32>
    %concatenate3A = tpu.concatenate %broadcast_in_dim3A_25, %slice3A in 0 : vector<1x8xi32>, vector<2047x8xi32> -> vector<2048x8xi32>
    %add3A_26 = arith.addi %convert_element_type3A, %concatenate3A : vector<2048x8xi32>
    %broadcast_in_dim3A_27 = arith.constant 0 : i32
    %broadcast_in_dim3A_28 = vector.broadcast %broadcast_in_dim3A_27 : i32 to vector<2x8xi32>
    %slice3A_29 = vector.extract_strided_slice %add3A_26 {offsets = [0, 0], sizes = [2046, 8], strides = [1, 1]} : vector<2048x8xi32> to vector<2046x8xi32>
    %concatenate3A_30 = tpu.concatenate %broadcast_in_dim3A_28, %slice3A_29 in 0 : vector<2x8xi32>, vector<2046x8xi32> -> vector<2048x8xi32>
    %add3A_31 = arith.addi %add3A_26, %concatenate3A_30 : vector<2048x8xi32>
    %broadcast_in_dim3A_32 = arith.constant 0 : i32
    %broadcast_in_dim3A_33 = vector.broadcast %broadcast_in_dim3A_32 : i32 to vector<4x8xi32>
    %slice3A_34 = vector.extract_strided_slice %add3A_31 {offsets = [0, 0], sizes = [2044, 8], strides = [1, 1]} : vector<2048x8xi32> to vector<2044x8xi32>
    %concatenate3A_35 = tpu.concatenate %broadcast_in_dim3A_33, %slice3A_34 in 0 : vector<4x8xi32>, vector<2044x8xi32> -> vector<2048x8xi32>
    %add3A_36 = arith.addi %add3A_31, %concatenate3A_35 : vector<2048x8xi32>
    %broadcast_in_dim3A_37 = arith.constant 0 : i32
    %broadcast_in_dim3A_38 = vector.broadcast %broadcast_in_dim3A_37 : i32 to vector<8x8xi32>
    %slice3A_39 = vector.extract_strided_slice %add3A_36 {offsets = [0, 0], sizes = [2040, 8], strides = [1, 1]} : vector<2048x8xi32> to vector<2040x8xi32>
    %concatenate3A_40 = tpu.concatenate %broadcast_in_dim3A_38, %slice3A_39 in 0 : vector<8x8xi32>, vector<2040x8xi32> -> vector<2048x8xi32>
    %add3A_41 = arith.addi %add3A_36, %concatenate3A_40 : vector<2048x8xi32>
    %broadcast_in_dim3A_42 = arith.constant 0 : i32
    %broadcast_in_dim3A_43 = vector.broadcast %broadcast_in_dim3A_42 : i32 to vector<16x8xi32>
    %slice3A_44 = vector.extract_strided_slice %add3A_41 {offsets = [0, 0], sizes = [2032, 8], strides = [1, 1]} : vector<2048x8xi32> to vector<2032x8xi32>
    %concatenate3A_45 = tpu.concatenate %broadcast_in_dim3A_43, %slice3A_44 in 0 : vector<16x8xi32>, vector<2032x8xi32> -> vector<2048x8xi32>
    %add3A_46 = arith.addi %add3A_41, %concatenate3A_45 : vector<2048x8xi32>
    %broadcast_in_dim3A_47 = arith.constant 0 : i32
    %broadcast_in_dim3A_48 = vector.broadcast %broadcast_in_dim3A_47 : i32 to vector<32x8xi32>
    %slice3A_49 = vector.extract_strided_slice %add3A_46 {offsets = [0, 0], sizes = [2016, 8], strides = [1, 1]} : vector<2048x8xi32> to vector<2016x8xi32>
    %concatenate3A_50 = tpu.concatenate %broadcast_in_dim3A_48, %slice3A_49 in 0 : vector<32x8xi32>, vector<2016x8xi32> -> vector<2048x8xi32>
    %add3A_51 = arith.addi %add3A_46, %concatenate3A_50 : vector<2048x8xi32>
    %broadcast_in_dim3A_52 = arith.constant 0 : i32
    %broadcast_in_dim3A_53 = vector.broadcast %broadcast_in_dim3A_52 : i32 to vector<64x8xi32>
    %slice3A_54 = vector.extract_strided_slice %add3A_51 {offsets = [0, 0], sizes = [1984, 8], strides = [1, 1]} : vector<2048x8xi32> to vector<1984x8xi32>
    %concatenate3A_55 = tpu.concatenate %broadcast_in_dim3A_53, %slice3A_54 in 0 : vector<64x8xi32>, vector<1984x8xi32> -> vector<2048x8xi32>
    %add3A_56 = arith.addi %add3A_51, %concatenate3A_55 : vector<2048x8xi32>
    %broadcast_in_dim3A_57 = arith.constant 0 : i32
    %broadcast_in_dim3A_58 = vector.broadcast %broadcast_in_dim3A_57 : i32 to vector<128x8xi32>
    %slice3A_59 = vector.extract_strided_slice %add3A_56 {offsets = [0, 0], sizes = [1920, 8], strides = [1, 1]} : vector<2048x8xi32> to vector<1920x8xi32>
    %concatenate3A_60 = tpu.concatenate %broadcast_in_dim3A_58, %slice3A_59 in 0 : vector<128x8xi32>, vector<1920x8xi32> -> vector<2048x8xi32>
    %add3A_61 = arith.addi %add3A_56, %concatenate3A_60 : vector<2048x8xi32>
    %broadcast_in_dim3A_62 = arith.constant 0 : i32
    %broadcast_in_dim3A_63 = vector.broadcast %broadcast_in_dim3A_62 : i32 to vector<256x8xi32>
    %slice3A_64 = vector.extract_strided_slice %add3A_61 {offsets = [0, 0], sizes = [1792, 8], strides = [1, 1]} : vector<2048x8xi32> to vector<1792x8xi32>
    %concatenate3A_65 = tpu.concatenate %broadcast_in_dim3A_63, %slice3A_64 in 0 : vector<256x8xi32>, vector<1792x8xi32> -> vector<2048x8xi32>
    %add3A_66 = arith.addi %add3A_61, %concatenate3A_65 : vector<2048x8xi32>
    %broadcast_in_dim3A_67 = arith.constant 0 : i32
    %broadcast_in_dim3A_68 = vector.broadcast %broadcast_in_dim3A_67 : i32 to vector<512x8xi32>
    %slice3A_69 = vector.extract_strided_slice %add3A_66 {offsets = [0, 0], sizes = [1536, 8], strides = [1, 1]} : vector<2048x8xi32> to vector<1536x8xi32>
    %concatenate3A_70 = tpu.concatenate %broadcast_in_dim3A_68, %slice3A_69 in 0 : vector<512x8xi32>, vector<1536x8xi32> -> vector<2048x8xi32>
    %add3A_71 = arith.addi %add3A_66, %concatenate3A_70 : vector<2048x8xi32>
    %broadcast_in_dim3A_72 = arith.constant 0 : i32
    %broadcast_in_dim3A_73 = vector.broadcast %broadcast_in_dim3A_72 : i32 to vector<1024x8xi32>
    %slice3A_74 = vector.extract_strided_slice %add3A_71 {offsets = [0, 0], sizes = [1024, 8], strides = [1, 1]} : vector<2048x8xi32> to vector<1024x8xi32>
    %concatenate3A_75 = tpu.concatenate %broadcast_in_dim3A_73, %slice3A_74 in 0 : vector<1024x8xi32>, vector<1024x8xi32> -> vector<2048x8xi32>
    %add3A_76 = arith.addi %add3A_71, %concatenate3A_75 : vector<2048x8xi32>
    %slice3A_77 = vector.extract_strided_slice %add3A_76 {offsets = [2047, 0], sizes = [1, 8], strides = [1, 1]} : vector<2048x8xi32> to vector<1x8xi32>
    %broadcast_in_dim3A_78 = arith.constant 0 : i32
    %broadcast_in_dim3A_79 = vector.broadcast %broadcast_in_dim3A_78 : i32 to vector<1x1xi32>
    %slice3A_80 = vector.extract_strided_slice %slice3A_77 {offsets = [0, 0], sizes = [1, 7], strides = [1, 1]} : vector<1x8xi32> to vector<1x7xi32>
    %concatenate3A_81 = tpu.concatenate %broadcast_in_dim3A_79, %slice3A_80 in 1 : vector<1x1xi32>, vector<1x7xi32> -> vector<1x8xi32>
    %broadcast_in_dim3A_82 = arith.constant 0 : i32
    %broadcast_in_dim3A_83 = vector.broadcast %broadcast_in_dim3A_82 : i32 to vector<1x1xi32>
    %slice3A_84 = vector.extract_strided_slice %concatenate3A_81 {offsets = [0, 0], sizes = [1, 7], strides = [1, 1]} : vector<1x8xi32> to vector<1x7xi32>
    %concatenate3A_85 = tpu.concatenate %broadcast_in_dim3A_83, %slice3A_84 in 1 : vector<1x1xi32>, vector<1x7xi32> -> vector<1x8xi32>
    %add3A_86 = arith.addi %concatenate3A_81, %concatenate3A_85 : vector<1x8xi32>
    %broadcast_in_dim3A_87 = arith.constant 0 : i32
    %broadcast_in_dim3A_88 = vector.broadcast %broadcast_in_dim3A_87 : i32 to vector<1x2xi32>
    %slice3A_89 = vector.extract_strided_slice %add3A_86 {offsets = [0, 0], sizes = [1, 6], strides = [1, 1]} : vector<1x8xi32> to vector<1x6xi32>
    %concatenate3A_90 = tpu.concatenate %broadcast_in_dim3A_88, %slice3A_89 in 1 : vector<1x2xi32>, vector<1x6xi32> -> vector<1x8xi32>
    %add3A_91 = arith.addi %add3A_86, %concatenate3A_90 : vector<1x8xi32>
    %broadcast_in_dim3A_92 = arith.constant 0 : i32
    %broadcast_in_dim3A_93 = vector.broadcast %broadcast_in_dim3A_92 : i32 to vector<1x4xi32>
    %slice3A_94 = vector.extract_strided_slice %add3A_91 {offsets = [0, 0], sizes = [1, 4], strides = [1, 1]} : vector<1x8xi32> to vector<1x4xi32>
    %concatenate3A_95 = tpu.concatenate %broadcast_in_dim3A_93, %slice3A_94 in 1 : vector<1x4xi32>, vector<1x4xi32> -> vector<1x8xi32>
    %add3A_96 = arith.addi %add3A_91, %concatenate3A_95 : vector<1x8xi32>
    %sub3A_97 = arith.constant 1 : i32
    %sub3A_98 = vector.broadcast %sub3A_97 : i32 to vector<2048x8xi32>
    %sub3A_99 = arith.subi %add3A_76, %sub3A_98 : vector<2048x8xi32>
    %add3A_100 = vector.broadcast %add3A_96 : vector<1x8xi32> to vector<2048x8xi32>
    %add3A_101 = arith.addi %sub3A_99, %add3A_100 : vector<2048x8xi32>
    %mul3A = arith.muli %convert_element_type3A, %add3A_101 : vector<2048x8xi32>
    %reduce_sum3A_102 = arith.constant dense<0> : vector<2048xi32>
    %reduce_sum3A_103 = vector.multi_reduction <add>, %mul3A, %reduce_sum3A_102 [1] : vector<2048x8xi32> to vector<2048xi32>
    %broadcast_in_dim3A_104 = vector.shape_cast %reduce_sum3A_103 : vector<2048xi32> to vector<2048x1xi32>
    %swap3A_105 = arith.constant 0 : index
    %swap3A_106 = arith.constant 0 : index
    %swap3A_107 = vector.load %arg3[%swap3A_105, %swap3A_106] : memref<2048x1xi32, #tpu.memory_space<vmem>>, vector<2048x1xi32>
    tpu.vector_store %arg3[%swap3A_105, %swap3A_106], %broadcast_in_dim3A_104 {strides = array<i32>} : memref<2048x1xi32, #tpu.memory_space<vmem>>, vector<2048x1xi32>,
    %add3A_108 = arith.addi %add3A_96, %slice3A_77 : vector<1x8xi32>
    %jit3A = arith.constant 512 : i32
    %div3A_109 = vector.broadcast %jit3A : i32 to vector<1x8xi32>
    %div3A_110 = arith.divsi %add3A_96, %div3A_109 : vector<1x8xi32>
    %sign3A = arith.constant 0 : i32
    %sign3A_111 = vector.broadcast %sign3A : i32 to vector<1x8xi32>
    %sign3A_112 = arith.cmpi sgt, %add3A_96, %sign3A_111 : vector<1x8xi32>
    %sign3A_113 = arith.extui %sign3A_112 : vector<1x8xi1> to vector<1x8xi32>
    %sign3A_114 = arith.constant 0 : i32
    %sign3A_115 = vector.broadcast %sign3A_114 : i32 to vector<1x8xi32>
    %sign3A_116 = arith.cmpi slt, %add3A_96, %sign3A_115 : vector<1x8xi32>
    %sign3A_117 = arith.extui %sign3A_116 : vector<1x8xi1> to vector<1x8xi32>
    %sign3A_118 = arith.subi %sign3A_113, %sign3A_117 : vector<1x8xi32>
    %sign3A_119 = arith.constant 0 : i32
    %sign3A_120 = arith.cmpi sgt, %jit3A, %sign3A_119 : i32
    %sign3A_121 = arith.extui %sign3A_120 : i1 to i32
    %sign3A_122 = arith.constant 0 : i32
    %sign3A_123 = arith.cmpi slt, %jit3A, %sign3A_122 : i32
    %sign3A_124 = arith.extui %sign3A_123 : i1 to i32
    %sign3A_125 = arith.subi %sign3A_121, %sign3A_124 : i32
    %ne3A = vector.broadcast %sign3A_125 : i32 to vector<1x8xi32>
    %ne3A_126 = arith.cmpi ne, %sign3A_118, %ne3A : vector<1x8xi32>
    %rem3A = vector.broadcast %jit3A : i32 to vector<1x8xi32>
    %rem3A_127 = arith.remsi %add3A_96, %rem3A : vector<1x8xi32>
    %ne3A_128 = arith.constant 0 : i32
    %ne3A_129 = vector.broadcast %ne3A_128 : i32 to vector<1x8xi32>
    %ne3A_130 = arith.cmpi ne, %rem3A_127, %ne3A_129 : vector<1x8xi32>
    %and3A = arith.andi %ne3A_126, %ne3A_130 : vector<1x8xi1>
    %sub3A_131 = arith.constant 1 : i32
    %sub3A_132 = vector.broadcast %sub3A_131 : i32 to vector<1x8xi32>
    %sub3A_133 = arith.subi %div3A_110, %sub3A_132 : vector<1x8xi32>
    %select_n3A = arith.select %and3A, %sub3A_133, %div3A_110 : vector<1x8xi1>, vector<1x8xi32>
    %gt3A = arith.constant 0 : i32
    %gt3A_134 = vector.broadcast %gt3A : i32 to vector<1x8xi32>
    %gt3A_135 = arith.cmpi sgt, %slice3A_77, %gt3A_134 : vector<1x8xi32>
    %add3A_136 = arith.constant 512 : i32
    %add3A_137 = vector.broadcast %add3A_136 : i32 to vector<1x8xi32>
    %add3A_138 = arith.addi %add3A_108, %add3A_137 : vector<1x8xi32>
    %sub3A_139 = arith.constant 1 : i32
    %sub3A_140 = vector.broadcast %sub3A_139 : i32 to vector<1x8xi32>
    %sub3A_141 = arith.subi %add3A_138, %sub3A_140 : vector<1x8xi32>
    %jit3A_142 = arith.constant 512 : i32
    %div3A_143 = vector.broadcast %jit3A_142 : i32 to vector<1x8xi32>
    %div3A_144 = arith.divsi %sub3A_141, %div3A_143 : vector<1x8xi32>
    %sign3A_145 = arith.constant 0 : i32
    %sign3A_146 = vector.broadcast %sign3A_145 : i32 to vector<1x8xi32>
    %sign3A_147 = arith.cmpi sgt, %sub3A_141, %sign3A_146 : vector<1x8xi32>
    %sign3A_148 = arith.extui %sign3A_147 : vector<1x8xi1> to vector<1x8xi32>
    %sign3A_149 = arith.constant 0 : i32
    %sign3A_150 = vector.broadcast %sign3A_149 : i32 to vector<1x8xi32>
    %sign3A_151 = arith.cmpi slt, %sub3A_141, %sign3A_150 : vector<1x8xi32>
    %sign3A_152 = arith.extui %sign3A_151 : vector<1x8xi1> to vector<1x8xi32>
    %sign3A_153 = arith.subi %sign3A_148, %sign3A_152 : vector<1x8xi32>
    %sign3A_154 = arith.constant 0 : i32
    %sign3A_155 = arith.cmpi sgt, %jit3A_142, %sign3A_154 : i32
    %sign3A_156 = arith.extui %sign3A_155 : i1 to i32
    %sign3A_157 = arith.constant 0 : i32
    %sign3A_158 = arith.cmpi slt, %jit3A_142, %sign3A_157 : i32
    %sign3A_159 = arith.extui %sign3A_158 : i1 to i32
    %sign3A_160 = arith.subi %sign3A_156, %sign3A_159 : i32
    %ne3A_161 = vector.broadcast %sign3A_160 : i32 to vector<1x8xi32>
    %ne3A_162 = arith.cmpi ne, %sign3A_153, %ne3A_161 : vector<1x8xi32>
    %rem3A_163 = vector.broadcast %jit3A_142 : i32 to vector<1x8xi32>
    %rem3A_164 = arith.remsi %sub3A_141, %rem3A_163 : vector<1x8xi32>
    %ne3A_165 = arith.constant 0 : i32
    %ne3A_166 = vector.broadcast %ne3A_165 : i32 to vector<1x8xi32>
    %ne3A_167 = arith.cmpi ne, %rem3A_164, %ne3A_166 : vector<1x8xi32>
    %and3A_168 = arith.andi %ne3A_162, %ne3A_167 : vector<1x8xi1>
    %sub3A_169 = arith.constant 1 : i32
    %sub3A_170 = vector.broadcast %sub3A_169 : i32 to vector<1x8xi32>
    %sub3A_171 = arith.subi %div3A_144, %sub3A_170 : vector<1x8xi32>
    %select_n3A_172 = arith.select %and3A_168, %sub3A_171, %div3A_144 : vector<1x8xi1>, vector<1x8xi32>
    %select_n3A_173 = arith.select %gt3A_135, %select_n3A_172, %select_n3A : vector<1x8xi1>, vector<1x8xi32>
    %sub3A_174 = arith.subi %select_n3A_173, %select_n3A : vector<1x8xi32>
    %broadcast_in_dim3A_175 = arith.constant 0 : i32
    %broadcast_in_dim3A_176 = vector.broadcast %broadcast_in_dim3A_175 : i32 to vector<1x1xi32>
    %slice3A_177 = vector.extract_strided_slice %sub3A_174 {offsets = [0, 0], sizes = [1, 7], strides = [1, 1]} : vector<1x8xi32> to vector<1x7xi32>
    %concatenate3A_178 = tpu.concatenate %broadcast_in_dim3A_176, %slice3A_177 in 1 : vector<1x1xi32>, vector<1x7xi32> -> vector<1x8xi32>
    %add3A_179 = arith.addi %sub3A_174, %concatenate3A_178 : vector<1x8xi32>
    %broadcast_in_dim3A_180 = arith.constant 0 : i32
    %broadcast_in_dim3A_181 = vector.broadcast %broadcast_in_dim3A_180 : i32 to vector<1x2xi32>
    %slice3A_182 = vector.extract_strided_slice %add3A_179 {offsets = [0, 0], sizes = [1, 6], strides = [1, 1]} : vector<1x8xi32> to vector<1x6xi32>
    %concatenate3A_183 = tpu.concatenate %broadcast_in_dim3A_181, %slice3A_182 in 1 : vector<1x2xi32>, vector<1x6xi32> -> vector<1x8xi32>
    %add3A_184 = arith.addi %add3A_179, %concatenate3A_183 : vector<1x8xi32>
    %broadcast_in_dim3A_185 = arith.constant 0 : i32
    %broadcast_in_dim3A_186 = vector.broadcast %broadcast_in_dim3A_185 : i32 to vector<1x4xi32>
    %slice3A_187 = vector.extract_strided_slice %add3A_184 {offsets = [0, 0], sizes = [1, 4], strides = [1, 1]} : vector<1x8xi32> to vector<1x4xi32>
    %concatenate3A_188 = tpu.concatenate %broadcast_in_dim3A_186, %slice3A_187 in 1 : vector<1x4xi32>, vector<1x4xi32> -> vector<1x8xi32>
    %add3A_189 = arith.addi %add3A_184, %concatenate3A_188 : vector<1x8xi32>
    %sub3A_190 = arith.subi %add3A_189, %sub3A_174 : vector<1x8xi32>
    %iota3A_191 = tpu.iota {dimensions = array<i32: 0>} : vector<8x8xi32>
    %iota3A_192 = tpu.iota {dimensions = array<i32: 1>} : vector<8x8xi32>
    %eq3A_193 = arith.cmpi eq, %iota3A_191, %iota3A_192 : vector<8x8xi32>
    %convert_element_type3A_194 = arith.extui %eq3A_193 : vector<8x8xi1> to vector<8x8xi32>
    %iota3A_195 = tpu.iota {dimensions = array<i32: 1>} : vector<8x32xi32>
    %iota3A_196 = tpu.iota {dimensions = array<i32: 0>} : vector<8x32xi32>
    %broadcast_in_dim3A_197 = vector.shape_cast %add3A_189 : vector<1x8xi32> to vector<1x8xi32>
    %broadcast_in_dim3A_198 = vector.broadcast %broadcast_in_dim3A_197 : vector<1x8xi32> to vector<8x8xi32>
    %mul3A_199 = arith.muli %broadcast_in_dim3A_198, %convert_element_type3A_194 : vector<8x8xi32>
    %reduce_sum3A_200 = arith.constant dense<0> : vector<8xi32>
    %reduce_sum3A_201 = vector.multi_reduction <add>, %mul3A_199, %reduce_sum3A_200 [1] : vector<8x8xi32> to vector<8xi32>
    %broadcast_in_dim3A_202 = vector.shape_cast %reduce_sum3A_201 : vector<8xi32> to vector<8x1xi32>
    %ge3A = vector.broadcast %broadcast_in_dim3A_202 : vector<8x1xi32> to vector<8x32xi32>
    %ge3A_203 = arith.cmpi sge, %iota3A_195, %ge3A : vector<8x32xi32>
    %convert_element_type3A_204 = arith.extui %ge3A_203 : vector<8x32xi1> to vector<8x32xi32>
    %reduce_sum3A_205 = arith.constant dense<0> : vector<32xi32>
    %reduce_sum3A_206 = vector.multi_reduction <add>, %convert_element_type3A_204, %reduce_sum3A_205 [0] : vector<8x32xi32> to vector<32xi32>
    %broadcast_in_dim3A_207 = vector.shape_cast %reduce_sum3A_206 : vector<32xi32> to vector<1x32xi32>
    %min3A = arith.constant 7 : i32
    %min3A_208 = vector.broadcast %min3A : i32 to vector<1x32xi32>
    %min3A_209 = arith.minsi %broadcast_in_dim3A_207, %min3A_208 : vector<1x32xi32>
    %broadcast_in_dim3A_210 = vector.shape_cast %min3A_209 : vector<1x32xi32> to vector<1x32xi32>
    %broadcast_in_dim3A_211 = vector.broadcast %broadcast_in_dim3A_210 : vector<1x32xi32> to vector<8x32xi32>
    %eq3A_212 = arith.cmpi eq, %iota3A_196, %broadcast_in_dim3A_211 : vector<8x32xi32>
    %convert_element_type3A_213 = arith.extui %eq3A_212 : vector<8x32xi1> to vector<8x32xi32>
    %iota3A_214 = tpu.iota {dimensions = array<i32: 1>} : vector<1x32xi32>
    %broadcast_in_dim3A_215 = vector.shape_cast %select_n3A : vector<1x8xi32> to vector<1x8xi32>
    %broadcast_in_dim3A_216 = vector.broadcast %broadcast_in_dim3A_215 : vector<1x8xi32> to vector<8x8xi32>
    %mul3A_217 = arith.muli %broadcast_in_dim3A_216, %convert_element_type3A_194 : vector<8x8xi32>
    %reduce_sum3A_218 = arith.constant dense<0> : vector<8xi32>
    %reduce_sum3A_219 = vector.multi_reduction <add>, %mul3A_217, %reduce_sum3A_218 [1] : vector<8x8xi32> to vector<8xi32>
    %broadcast_in_dim3A_220 = vector.shape_cast %reduce_sum3A_219 : vector<8xi32> to vector<8x1xi32>
    %mul3A_221 = vector.broadcast %broadcast_in_dim3A_220 : vector<8x1xi32> to vector<8x32xi32>
    %mul3A_222 = arith.muli %mul3A_221, %convert_element_type3A_213 : vector<8x32xi32>
    %reduce_sum3A_223 = arith.constant dense<0> : vector<32xi32>
    %reduce_sum3A_224 = vector.multi_reduction <add>, %mul3A_222, %reduce_sum3A_223 [0] : vector<8x32xi32> to vector<32xi32>
    %broadcast_in_dim3A_225 = vector.shape_cast %reduce_sum3A_224 : vector<32xi32> to vector<1x32xi32>
    %broadcast_in_dim3A_226 = vector.shape_cast %sub3A_190 : vector<1x8xi32> to vector<1x8xi32>
    %broadcast_in_dim3A_227 = vector.broadcast %broadcast_in_dim3A_226 : vector<1x8xi32> to vector<8x8xi32>
    %mul3A_228 = arith.muli %broadcast_in_dim3A_227, %convert_element_type3A_194 : vector<8x8xi32>
    %reduce_sum3A_229 = arith.constant dense<0> : vector<8xi32>
    %reduce_sum3A_230 = vector.multi_reduction <add>, %mul3A_228, %reduce_sum3A_229 [1] : vector<8x8xi32> to vector<8xi32>
    %broadcast_in_dim3A_231 = vector.shape_cast %reduce_sum3A_230 : vector<8xi32> to vector<8x1xi32>
    %mul3A_232 = vector.broadcast %broadcast_in_dim3A_231 : vector<8x1xi32> to vector<8x32xi32>
    %mul3A_233 = arith.muli %mul3A_232, %convert_element_type3A_213 : vector<8x32xi32>
    %reduce_sum3A_234 = arith.constant dense<0> : vector<32xi32>
    %reduce_sum3A_235 = vector.multi_reduction <add>, %mul3A_233, %reduce_sum3A_234 [0] : vector<8x32xi32> to vector<32xi32>
    %broadcast_in_dim3A_236 = vector.shape_cast %reduce_sum3A_235 : vector<32xi32> to vector<1x32xi32>
    %sub3A_237 = arith.subi %iota3A_214, %broadcast_in_dim3A_236 : vector<1x32xi32>
    %add3A_238 = arith.addi %broadcast_in_dim3A_225, %sub3A_237 : vector<1x32xi32>
    %reduce_sum3A_239 = arith.constant dense<0> : vector<1xi32>
    %reduce_sum3A_240 = vector.multi_reduction <add>, %sub3A_174, %reduce_sum3A_239 [1] : vector<1x8xi32> to vector<1xi32>
    %broadcast_in_dim3A_241 = vector.shape_cast %reduce_sum3A_240 : vector<1xi32> to vector<1x1xi32>
    %lt3A = vector.broadcast %broadcast_in_dim3A_241 : vector<1x1xi32> to vector<1x32xi32>
    %lt3A_242 = arith.cmpi slt, %iota3A_214, %lt3A : vector<1x32xi32>
    %jit3A_243 = arith.constant 3 : i32
    %broadcast_in_dim3A_244 = vector.broadcast %jit3A_243 : i32 to vector<1x32xi32>
    %select_n3A_245 = arith.select %lt3A_242, %add3A_238, %broadcast_in_dim3A_244 : vector<1x32xi1>, vector<1x32xi32>
    %broadcast_in_dim3A_246 = vector.shape_cast %add3A_96 : vector<1x8xi32> to vector<1x8xi32>
    %broadcast_in_dim3A_247 = vector.broadcast %broadcast_in_dim3A_246 : vector<1x8xi32> to vector<8x8xi32>
    %mul3A_248 = arith.muli %broadcast_in_dim3A_247, %convert_element_type3A_194 : vector<8x8xi32>
    %reduce_sum3A_249 = arith.constant dense<0> : vector<8xi32>
    %reduce_sum3A_250 = vector.multi_reduction <add>, %mul3A_248, %reduce_sum3A_249 [1] : vector<8x8xi32> to vector<8xi32>
    %broadcast_in_dim3A_251 = vector.shape_cast %reduce_sum3A_250 : vector<8xi32> to vector<8x1xi32>
    %mul3A_252 = vector.broadcast %broadcast_in_dim3A_251 : vector<8x1xi32> to vector<8x32xi32>
    %mul3A_253 = arith.muli %mul3A_252, %convert_element_type3A_213 : vector<8x32xi32>
    %reduce_sum3A_254 = arith.constant dense<0> : vector<32xi32>
    %reduce_sum3A_255 = vector.multi_reduction <add>, %mul3A_253, %reduce_sum3A_254 [0] : vector<8x32xi32> to vector<32xi32>
    %broadcast_in_dim3A_256 = vector.shape_cast %reduce_sum3A_255 : vector<32xi32> to vector<1x32xi32>
    %mul3A_257 = arith.constant 512 : i32
    %mul3A_258 = vector.broadcast %mul3A_257 : i32 to vector<1x32xi32>
    %mul3A_259 = arith.muli %select_n3A_245, %mul3A_258 : vector<1x32xi32>
    %max3A = arith.maxsi %broadcast_in_dim3A_256, %mul3A_259 : vector<1x32xi32>
    %mul3A_260 = arith.constant 512 : i32
    %mul3A_261 = vector.broadcast %mul3A_260 : i32 to vector<1x32xi32>
    %mul3A_262 = arith.muli %select_n3A_245, %mul3A_261 : vector<1x32xi32>
    %sub3A_263 = arith.subi %max3A, %mul3A_262 : vector<1x32xi32>
    %jit3A_264 = arith.constant 0 : i32
    %broadcast_in_dim3A_265 = vector.broadcast %jit3A_264 : i32 to vector<1x32xi32>
    %select_n3A_266 = arith.select %lt3A_242, %sub3A_263, %broadcast_in_dim3A_265 : vector<1x32xi1>, vector<1x32xi32>
    %broadcast_in_dim3A_267 = vector.shape_cast %add3A_108 : vector<1x8xi32> to vector<1x8xi32>
    %broadcast_in_dim3A_268 = vector.broadcast %broadcast_in_dim3A_267 : vector<1x8xi32> to vector<8x8xi32>
    %mul3A_269 = arith.muli %broadcast_in_dim3A_268, %convert_element_type3A_194 : vector<8x8xi32>
    %reduce_sum3A_270 = arith.constant dense<0> : vector<8xi32>
    %reduce_sum3A_271 = vector.multi_reduction <add>, %mul3A_269, %reduce_sum3A_270 [1] : vector<8x8xi32> to vector<8xi32>
    %broadcast_in_dim3A_272 = vector.shape_cast %reduce_sum3A_271 : vector<8xi32> to vector<8x1xi32>
    %mul3A_273 = vector.broadcast %broadcast_in_dim3A_272 : vector<8x1xi32> to vector<8x32xi32>
    %mul3A_274 = arith.muli %mul3A_273, %convert_element_type3A_213 : vector<8x32xi32>
    %reduce_sum3A_275 = arith.constant dense<0> : vector<32xi32>
    %reduce_sum3A_276 = vector.multi_reduction <add>, %mul3A_274, %reduce_sum3A_275 [0] : vector<8x32xi32> to vector<32xi32>
    %broadcast_in_dim3A_277 = vector.shape_cast %reduce_sum3A_276 : vector<32xi32> to vector<1x32xi32>
    %mul3A_278 = arith.constant 512 : i32
    %mul3A_279 = vector.broadcast %mul3A_278 : i32 to vector<1x32xi32>
    %mul3A_280 = arith.muli %select_n3A_245, %mul3A_279 : vector<1x32xi32>
    %add3A_281 = arith.constant 512 : i32
    %add3A_282 = vector.broadcast %add3A_281 : i32 to vector<1x32xi32>
    %add3A_283 = arith.addi %mul3A_280, %add3A_282 : vector<1x32xi32>
    %min3A_284 = arith.minsi %broadcast_in_dim3A_277, %add3A_283 : vector<1x32xi32>
    %mul3A_285 = arith.constant 512 : i32
    %mul3A_286 = vector.broadcast %mul3A_285 : i32 to vector<1x32xi32>
    %mul3A_287 = arith.muli %select_n3A_245, %mul3A_286 : vector<1x32xi32>
    %sub3A_288 = arith.subi %min3A_284, %mul3A_287 : vector<1x32xi32>
    %jit3A_289 = arith.constant 0 : i32
    %broadcast_in_dim3A_290 = vector.broadcast %jit3A_289 : i32 to vector<1x32xi32>
    %select_n3A_291 = arith.select %lt3A_242, %sub3A_288, %broadcast_in_dim3A_290 : vector<1x32xi1>, vector<1x32xi32>
    %concatenate3A_292 = tpu.concatenate %min3A_209, %select_n3A_245, %select_n3A_266, %select_n3A_291 in 0 : vector<1x32xi32>, vector<1x32xi32>, vector<1x32xi32>, vector<1x32xi32> -> vector<4x32xi32>
    %swap3A_293 = arith.constant 0 : index
    %swap3A_294 = arith.constant 0 : index
    %swap3A_295 = vector.load %arg5[%swap3A_293, %swap3A_294] : memref<4x32xi32, #tpu.memory_space<vmem>>, vector<4x32xi32>
    tpu.vector_store %arg5[%swap3A_293, %swap3A_294], %concatenate3A_292 {strides = array<i32>} : memref<4x32xi32, #tpu.memory_space<vmem>>, vector<4x32xi32>,
    return
  }
}

module attributes {stable_mosaic.version = 14 : i64} {
  func.func @_ffn_body(%arg0: i32, %arg1: memref<4x32xi32, #tpu.memory_space<smem>>, %arg2: memref<512x768xf32, #tpu.memory_space<vmem>>, %arg3: memref<1x768x768xf32, #tpu.memory_space<vmem>>, %arg4: memref<1x1x768xf32, #tpu.memory_space<vmem>>, %arg5: memref<1x768x768xf32, #tpu.memory_space<vmem>>, %arg6: memref<1x1x768xf32, #tpu.memory_space<vmem>>, %arg7: memref<512x128xf32, #tpu.memory_space<vmem>>, %arg8: memref<512x768xf32, #tpu.memory_space<vmem>>) attributes {dimension_semantics = [#tpu.dimension_semantics<arbitrary>], iteration_bounds = array<i64: 11>, scalar_prefetch = 1 : i64, scratch_operands = 0 : i64, tpu.core_type = #tpu.core_type<tc>, window_params = [{transform_indices = @transform_0, window_bounds = array<i64: 512, 768>}, {transform_indices = @transform_1, window_bounds = array<i64: 1, 768, 768>}, {transform_indices = @transform_2, window_bounds = array<i64: 1, 1, 768>}, {transform_indices = @transform_3, window_bounds = array<i64: 1, 768, 768>}, {transform_indices = @transform_4, window_bounds = array<i64: 1, 1, 768>}, {transform_indices = @transform_5, window_bounds = array<i64: 512, 128>}, {transform_indices = @transform_6, window_bounds = array<i64: 512, 768>}]} {
    %get3A = arith.constant 2 : index
    %get3A_0 = arith.index_cast %arg0 : i32 to index
    %get3A_1 = memref.load %arg1[%get3A, %get3A_0] : memref<4x32xi32, #tpu.memory_space<smem>>
    %get3A_2 = arith.constant 3 : index
    %get3A_3 = arith.index_cast %arg0 : i32 to index
    %get3A_4 = memref.load %arg1[%get3A_2, %get3A_3] : memref<4x32xi32, #tpu.memory_space<smem>>
    %lt3A = arith.cmpi slt, %get3A_1, %get3A_4 : i32
    %convert_element_type3A = arith.extui %lt3A : i1 to i32
    %cond3A = arith.constant 0 : i32
    %cond3A_5 = arith.cmpi ne, %convert_element_type3A, %cond3A : i32
    scf.if %cond3A_5 {
      %get3A_6 = arith.constant 0 : index
      %get3A_7 = arith.constant 0 : index
      %get3A_8 = vector.load %arg2[%get3A_6, %get3A_7] : memref<512x768xf32, #tpu.memory_space<vmem>>, vector<512x768xf32>
      %get3A_9 = arith.constant 0 : index
      %get3A_10 = arith.constant 0 : index
      %get3A_11 = arith.constant 0 : index
      %get3A_12 = vector.load %arg3[%get3A_9, %get3A_10, %get3A_11] : memref<1x768x768xf32, #tpu.memory_space<vmem>>, vector<1x768x768xf32>
      %get3A_13 = vector.shape_cast %get3A_12 : vector<1x768x768xf32> to vector<768x768xf32>
      %dot_general3A = arith.constant dense<0.000000e+00> : vector<512x768xf32>
      %dot_general3A_14 = tpu.matmul %get3A_8, %get3A_13, %dot_general3A {dimension_numbers = #tpu.dot_dimension_numbers<[1], [0], [0], [1], [0, 0, 1, 1], [], []>, transpose_lhs_hint = false} : vector<512x768xf32>, vector<768x768xf32>, vector<512x768xf32> -> vector<512x768xf32>
      %get3A_15 = arith.constant 0 : index
      %get3A_16 = arith.constant 0 : index
      %get3A_17 = arith.constant 0 : index
      %get3A_18 = vector.load %arg4[%get3A_15, %get3A_16, %get3A_17] : memref<1x1x768xf32, #tpu.memory_space<vmem>>, vector<1x1x768xf32>
      %get3A_19 = vector.shape_cast %get3A_18 : vector<1x1x768xf32> to vector<1x768xf32>
      %add3A = vector.broadcast %get3A_19 : vector<1x768xf32> to vector<512x768xf32>
      %add3A_20 = arith.addf %dot_general3A_14, %add3A : vector<512x768xf32>
      %mul3A = arith.constant 5.000000e-01 : f32
      %mul3A_21 = vector.broadcast %mul3A : f32 to vector<512x768xf32>
      %mul3A_22 = arith.mulf %mul3A_21, %add3A_20 : vector<512x768xf32>
      %mul3A_23 = arith.constant 0.707106769 : f32
      %mul3A_24 = vector.broadcast %mul3A_23 : f32 to vector<512x768xf32>
      %mul3A_25 = arith.mulf %add3A_20, %mul3A_24 : vector<512x768xf32>
      %erf3A = math.erf %mul3A_25 : vector<512x768xf32>
      %add3A_26 = arith.constant 1.000000e+00 : f32
      %add3A_27 = vector.broadcast %add3A_26 : f32 to vector<512x768xf32>
      %add3A_28 = arith.addf %add3A_27, %erf3A : vector<512x768xf32>
      %mul3A_29 = arith.mulf %mul3A_22, %add3A_28 : vector<512x768xf32>
      %get3A_30 = arith.constant 0 : index
      %get3A_31 = arith.constant 0 : index
      %get3A_32 = arith.constant 0 : index
      %get3A_33 = vector.load %arg5[%get3A_30, %get3A_31, %get3A_32] : memref<1x768x768xf32, #tpu.memory_space<vmem>>, vector<1x768x768xf32>
      %get3A_34 = vector.shape_cast %get3A_33 : vector<1x768x768xf32> to vector<768x768xf32>
      %dot_general3A_35 = arith.constant dense<0.000000e+00> : vector<512x768xf32>
      %dot_general3A_36 = tpu.matmul %mul3A_29, %get3A_34, %dot_general3A_35 {dimension_numbers = #tpu.dot_dimension_numbers<[1], [0], [0], [1], [0, 0, 1, 1], [], []>, transpose_lhs_hint = false} : vector<512x768xf32>, vector<768x768xf32>, vector<512x768xf32> -> vector<512x768xf32>
      %get3A_37 = arith.constant 0 : index
      %get3A_38 = arith.constant 0 : index
      %get3A_39 = arith.constant 0 : index
      %get3A_40 = vector.load %arg6[%get3A_37, %get3A_38, %get3A_39] : memref<1x1x768xf32, #tpu.memory_space<vmem>>, vector<1x1x768xf32>
      %get3A_41 = vector.shape_cast %get3A_40 : vector<1x1x768xf32> to vector<1x768xf32>
      %add3A_42 = vector.broadcast %get3A_41 : vector<1x768xf32> to vector<512x768xf32>
      %add3A_43 = arith.addf %dot_general3A_36, %add3A_42 : vector<512x768xf32>
      %get3A_44 = arith.constant 0 : index
      %get3A_45 = arith.constant 0 : index
      %get3A_46 = vector.load %arg7[%get3A_44, %get3A_45] : memref<512x128xf32, #tpu.memory_space<vmem>>, vector<512x128xf32>
      %slice3A = vector.extract_strided_slice %get3A_46 {offsets = [0, 0], sizes = [512, 1], strides = [1, 1]} : vector<512x128xf32> to vector<512x1xf32>
      %mul3A_47 = vector.broadcast %slice3A : vector<512x1xf32> to vector<512x768xf32>
      %mul3A_48 = arith.mulf %add3A_43, %mul3A_47 : vector<512x768xf32>
      %iota3A = tpu.iota {dimensions = array<i32: 0>} : vector<512x1xi32>
      %ge3A = vector.broadcast %get3A_1 : i32 to vector<512x1xi32>
      %ge3A_49 = arith.cmpi sge, %iota3A, %ge3A : vector<512x1xi32>
      %lt3A_50 = vector.broadcast %get3A_4 : i32 to vector<512x1xi32>
      %lt3A_51 = arith.cmpi slt, %iota3A, %lt3A_50 : vector<512x1xi32>
      %and3A = arith.andi %ge3A_49, %lt3A_51 : vector<512x1xi1>
      %get3A_52 = arith.constant 0 : index
      %get3A_53 = arith.constant 0 : index
      %get3A_54 = vector.load %arg8[%get3A_52, %get3A_53] : memref<512x768xf32, #tpu.memory_space<vmem>>, vector<512x768xf32>
      %broadcast_in_dim3A = vector.shape_cast %and3A : vector<512x1xi1> to vector<512x1xi1>
      %broadcast_in_dim3A_55 = vector.broadcast %broadcast_in_dim3A : vector<512x1xi1> to vector<512x768xi1>
      %select_n3A = arith.select %broadcast_in_dim3A_55, %mul3A_48, %get3A_54 : vector<512x768xi1>, vector<512x768xf32>
      %swap3A = arith.constant 0 : index
      %swap3A_56 = arith.constant 0 : index
      %swap3A_57 = vector.load %arg8[%swap3A, %swap3A_56] : memref<512x768xf32, #tpu.memory_space<vmem>>, vector<512x768xf32>
      tpu.vector_store %arg8[%swap3A, %swap3A_56], %select_n3A {strides = array<i32>} : memref<512x768xf32, #tpu.memory_space<vmem>>, vector<512x768xf32>,
    } else {
    }
    return
  }
  func.func @transform_0(%arg0: i32, %arg1: memref<4x32xi32, #tpu.memory_space<smem>>) -> (i32, i32) {
    %get3A = arith.constant 1 : index
    %get3A_0 = arith.index_cast %arg0 : i32 to index
    %get3A_1 = memref.load %arg1[%get3A, %get3A_0] : memref<4x32xi32, #tpu.memory_space<smem>>
    %c0_i32 = arith.constant 0 : i32
    %c0_i32_2 = arith.constant 0 : i32
    return %get3A_1, %c0_i32 : i32, i32
  }
  func.func @transform_1(%arg0: i32, %arg1: memref<4x32xi32, #tpu.memory_space<smem>>) -> (i32, i32, i32) {
    %get3A = arith.constant 0 : index
    %get3A_0 = arith.index_cast %arg0 : i32 to index
    %get3A_1 = memref.load %arg1[%get3A, %get3A_0] : memref<4x32xi32, #tpu.memory_space<smem>>
    %c0_i32 = arith.constant 0 : i32
    %c0_i32_2 = arith.constant 0 : i32
    %c0_i32_3 = arith.constant 0 : i32
    return %get3A_1, %c0_i32, %c0_i32_2 : i32, i32, i32
  }
  func.func @transform_2(%arg0: i32, %arg1: memref<4x32xi32, #tpu.memory_space<smem>>) -> (i32, i32, i32) {
    %get3A = arith.constant 0 : index
    %get3A_0 = arith.index_cast %arg0 : i32 to index
    %get3A_1 = memref.load %arg1[%get3A, %get3A_0] : memref<4x32xi32, #tpu.memory_space<smem>>
    %c0_i32 = arith.constant 0 : i32
    %c0_i32_2 = arith.constant 0 : i32
    %c0_i32_3 = arith.constant 0 : i32
    return %get3A_1, %c0_i32, %c0_i32_2 : i32, i32, i32
  }
  func.func @transform_3(%arg0: i32, %arg1: memref<4x32xi32, #tpu.memory_space<smem>>) -> (i32, i32, i32) {
    %get3A = arith.constant 0 : index
    %get3A_0 = arith.index_cast %arg0 : i32 to index
    %get3A_1 = memref.load %arg1[%get3A, %get3A_0] : memref<4x32xi32, #tpu.memory_space<smem>>
    %c0_i32 = arith.constant 0 : i32
    %c0_i32_2 = arith.constant 0 : i32
    %c0_i32_3 = arith.constant 0 : i32
    return %get3A_1, %c0_i32, %c0_i32_2 : i32, i32, i32
  }
  func.func @transform_4(%arg0: i32, %arg1: memref<4x32xi32, #tpu.memory_space<smem>>) -> (i32, i32, i32) {
    %get3A = arith.constant 0 : index
    %get3A_0 = arith.index_cast %arg0 : i32 to index
    %get3A_1 = memref.load %arg1[%get3A, %get3A_0] : memref<4x32xi32, #tpu.memory_space<smem>>
    %c0_i32 = arith.constant 0 : i32
    %c0_i32_2 = arith.constant 0 : i32
    %c0_i32_3 = arith.constant 0 : i32
    return %get3A_1, %c0_i32, %c0_i32_2 : i32, i32, i32
  }
  func.func @transform_5(%arg0: i32, %arg1: memref<4x32xi32, #tpu.memory_space<smem>>) -> (i32, i32) {
    %get3A = arith.constant 1 : index
    %get3A_0 = arith.index_cast %arg0 : i32 to index
    %get3A_1 = memref.load %arg1[%get3A, %get3A_0] : memref<4x32xi32, #tpu.memory_space<smem>>
    %c0_i32 = arith.constant 0 : i32
    %c0_i32_2 = arith.constant 0 : i32
    return %get3A_1, %c0_i32 : i32, i32
  }
  func.func @transform_6(%arg0: i32, %arg1: memref<4x32xi32, #tpu.memory_space<smem>>) -> (i32, i32) {
    %get3A = arith.constant 1 : index
    %get3A_0 = arith.index_cast %arg0 : i32 to index
    %get3A_1 = memref.load %arg1[%get3A, %get3A_0] : memref<4x32xi32, #tpu.memory_space<smem>>
    %c0_i32 = arith.constant 0 : i32
    %c0_i32_2 = arith.constant 0 : i32
    return %get3A_1, %c0_i32 : i32, i32
  }
}

</mosaic_0001>

<sc_bundles>
// kernel: kernel.6.cloned.1.call-start
scs
__scs_entry_jumppad:
0x0: {  	(pc) =	sbr.rel $0x88, $3  }
0x1: {  	(tag) =	ssettag $0x0;
	lr =	simm.s32 $0x1  }
0x2: {  	[smem:$0x3F9A] =	sst lr;
	_ =	strace $0xD0000000  }
0x3: {  	_ = 	snop  }
0x4: {  	_ = 	snop  }
0x5: {  	_ = 	snop  }
0x6: {  	_ = 	snop  }
0x7: {  	_ = 	snop  }
__scs_overlays_trampoline_lowered:
0x8: {  	[smem:$0x3FA9] =	sst s0  }
0x9: {  	[smem:$0x3FAA] =	sst s1  }
0xa: {  	[smem:$0x3FAB] =	sst s2  }
0xb: {  	[smem:$0x3FAC] =	sst s3  }
0xc: {  	[smem:$0x3FAD] =	sst s4  }
0xd: {  	[smem:$0x3FAE] =	sst s5  }
0xe: {  	[smem:$0x3FAF] =	sst s6  }
0xf: {  	[smem:$0x3FB0] =	sst s7  }
0x10: {  	[smem:$0x3FB1] =	sst s8  }
0x11: {  	[smem:$0x3FB2] =	sst s9;
	s0 =	simm.s32 @!p0 $0x0  }
0x12: {  	s1 =	sld [smem:$0x3F98];
	s0 =	simm.s32 @p0 $0x1  }
0x13: {  	[smem:$0x3FB3] =	sst s0;
	s0 =	simm.s32 @!p1 $0x0  }
0x14: {  	s2 =	sld [smem:$0x3F97];
	s0 =	simm.s32 @p1 $0x1  }
0x15: {  	[smem:$0x3FB4] =	sst s0;
	s0 =	simm.s32 @!p2 $0x0  }
0x16: {  	s3 =	sld [smem:$0x3FDB];
	s0 =	simm.s32 @p2 $0x1  }
0x17: {  	s4 =	simm.s32 $0x1BF5;
	[smem:$0x3FB6] =	sst s0  }
0x18: {  	s0 =	sld [smem:$0x3F99];
	_ =	swait.ge [sflag:s4], $0x0  }
0x19: {  	s7 =	sld [smem:$0x3F9A]  }
0x1a: {  	s8 =	sadd.s32 $0xFFFFE003, lr  }
0x1b: {  	s9 =	sadd.s32 $0xFFFFFEF7, lr;
	s5 =	simm.s32 $0xFFFFFFFF;
	p2 =	slt.u32 s8, $0xFFFFF086  }
0x1c: {  	p1 =	slt.u32 s9, $0xF7A;
	s5 =	simm.s32 @!p2 $0x0  }
0x1d: {  	s5 =	simm.s32 @p1 $0x1;
	p0 =	seq.s32 s7, s2  }
0x1e: {  	s7 =	smul.u32 @!p0 $0xF7A, s2;
	p2 =	seq.s32 @!p0 s5, $0x0  }
0x1f: {  	s9 =	smul.u32 $0xF7A, s1;
	s8 =	simm.s32 @!p0 $0x1BF5;
	p2 =	por !p2, p0  }
0x20: {  	[sflag:s8] =	ssyncset.s32 @!p0 $0xFFFFF086;
	s6 =	sadd.s32 @!p0 s3, s7;
	s7 =	simm.s32 @!p0 $0x108  }
0x21: {  	s3 =	sadd.s32 s3, s9;
	s6 =	sadd.s32 @!p0 $0x88, s6;
	s7 =	simm.s32 @p2 $0x1082  }
0x22: {  	[simem:s7], [sflag:s8] =	dma.local @!p0 [hbm:s6], $0xF7A  }
0x23: {  	s9 =	sor.u32 $0xD0000000, s2;
	s6 =	simm.s32 $0x108;
	_ =	swait.ge @!p0 [sflag:s8], $0x0  }
0x24: {  	s3 =	sadd.s32 $0x88, s3;
	s6 =	simm.s32 @!p1 $0x1082;
	[sflag:s4] =	ssyncset.s32 $0xFFFFF086  }
0x25: {  	[simem:s6], [sflag:s4] =	dma.local [hbm:s3], $0xF7A  }
0x26: {  	[smem:$0x3F9A] =	sst s1;
	(tag) =	ssettag s2;
	_ =	strace s9  }
0x27: {  	s1 =	sld [smem:$0x3FAA]  }
0x28: {  	s2 =	sld [smem:$0x3FAB]  }
0x29: {  	s4 =	sld [smem:$0x3FAD]  }
0x2a: {  	p0 =	seq.s32 s5, $0x0;
	s5 =	sld [smem:$0x3FAE]  }
0x2b: {  	s6 =	sld [smem:$0x3FAF]  }
0x2c: {  	s7 =	sld [smem:$0x3FB0]  }
0x2d: {  	s3 =	simm.s32 $0x108;
	s8 =	sld [smem:$0x3FB1]  }
0x2e: {  	s3 =	simm.s32 @!p0 $0x1082;
	s9 =	sld [smem:$0x3FB2]  }
0x2f: {  	lr =	sadd.s32 s0, s3;
	s0 =	sld [smem:$0x3FA9]  }
0x30: {  	s3 =	sld [smem:$0x3FAC]  }
0x31: {  	[smem:$0x3FB5] =	sst s10  }
0x32: {  	s10 =	sld [smem:$0x3FB3];
	_ =	sdelay $0x3  }
0x33: {  	p0 =	seq.s32 s10, $0x1;
	s10 =	sld [smem:$0x3FB5];
	_ =	sdelay $0x3  }
0x34: {  	[smem:$0x3FB5] =	sst s10  }
0x35: {  	s10 =	sld [smem:$0x3FB4];
	_ =	sdelay $0x3  }
0x36: {  	p1 =	seq.s32 s10, $0x1;
	s10 =	sld [smem:$0x3FB5];
	_ =	sdelay $0x3  }
0x37: {  	[smem:$0x3FB5] =	sst s10  }
0x38: {  	s10 =	sld [smem:$0x3FB6]  }
0x39: {  	_ = 	snop;
	(pc) =	sbr.ind lr, $3  }
0x3a: {  	_ = 	snop  }
0x3b: {  	_ = 	snop  }
0x3c: {  	p2 =	seq.s32 s10, $0x1;
	s10 =	sld [smem:$0x3FB5]  }
0x3d: {  	_ =	shalt  }
0x3e: {  	_ =	shalt  }
0x3f: {  	_ =	shalt  }
0x40: {  	_ =	shalt  }
0x41: {  	_ =	shalt  }
0x42: {  	_ =	shalt  }
0x43: {  	_ =	shalt  }
0x44: {  	_ =	shalt  }
0x45: {  	_ =	shalt  }
0x46: {  	_ =	shalt  }
0x47: {  	_ =	shalt  }
0x48: {  	_ =	shalt  }
0x49: {  	_ =	shalt  }
0x4a: {  	_ =	shalt  }
0x4b: {  	_ =	shalt  }
0x4c: {  	_ =	shalt  }
0x4d: {  	_ =	shalt  }
0x4e: {  	_ =	shalt  }
0x4f: {  	_ =	shalt  }
0x50: {  	_ =	shalt  }
0x51: {  	_ =	shalt  }
0x52: {  	_ =	shalt  }
0x53: {  	_ =	shalt  }
0x54: {  	_ =	shalt  }
0x55: {  	_ =	shalt  }
0x56: {  	_ =	shalt  }
0x57: {  	_ =	shalt  }
0x58: {  	_ =	shalt  }
0x59: {  	_ =	shalt  }
0x5a: {  	_ =	shalt  }
0x5b: {  	_ =	shalt  }
0x5c: {  	_ =	shalt  }
0x5d: {  	_ =	shalt  }
0x5e: {  	_ =	shalt  }
0x5f: {  	_ =	shalt  }
0x60: {  	_ =	shalt  }
0x61: {  	_ =	shalt  }
0x62: {  	_ =	shalt  }
0x63: {  	_ =	shalt  }
0x64: {  	_ =	shalt  }
0x65: {  	_ =	shalt  }
0x66: {  	_ =	shalt  }
0x67: {  	_ =	shalt  }
0x68: {  	_ =	shalt  }
0x69: {  	_ =	shalt  }
0x6a: {  	_ =	shalt  }
0x6b: {  	_ =	shalt  }
0x6c: {  	_ =	shalt  }
0x6d: {  	_ =	shalt  }
0x6e: {  	_ =	shalt  }
0x6f: {  	_ =	shalt  }
0x70: {  	_ =	shalt  }
0x71: {  	_ =	shalt  }
0x72: {  	_ =	shalt  }
0x73: {  	_ =	shalt  }
0x74: {  	_ =	shalt  }
0x75: {  	_ =	shalt  }
0x76: {  	_ =	shalt  }
0x77: {  	_ =	shalt  }
0x78: {  	_ =	shalt  }
0x79: {  	_ =	shalt  }
0x7a: {  	_ =	shalt  }
0x7b: {  	_ =	shalt  }
0x7c: {  	_ =	shalt  }
0x7d: {  	_ =	shalt  }
0x7e: {  	_ =	shalt  }
0x7f: {  	_ =	shalt  }
0x80: {  	_ =	shalt  }
0x81: {  	_ =	shalt  }
0x82: {  	_ =	shalt  }
0x83: {  	_ =	shalt  }
0x84: {  	_ =	shalt  }
0x85: {  	_ =	shalt  }
0x86: {  	_ =	shalt  }
0x87: {  	_ =	shalt  }
.Lfunc_end0:
.L_simem_size_0:
called_computation_lowered:
.L_overlay_start_0:
0x88: {  	s2 =	sld [smem:$0x3FD9]  }
0x89: {  	s3 =	sld [smem:$0x3FFE];
	_ =	sdelay $0x1  }
0x8a: {  	s1 =	srdreg.scid  }
0x8b: {  	s0 =	sand.u32 $0x1, s1  }
0x8c: {  	s17 =	sshll.u32 s0, $0xA;
	s2 =	sadd.s32 s3, s2  }
0x8d: {  	s2 =	sadd.s32 s2, s17  }
0x8e: {  	[smem:$0x3FC1] =	sst s2  }
0x8f: {  	_ = 	snop  }
0x90: {  	s2 =	sld [smem:$0x3FC9]  }
0x91: {  	s18 =	sld [smem:$0x3FD0];
	(tm) =	ssettm $0x1  }
0x92: {  	s4 =	sld [smem:$0x3FFB];
	_ =	sdelay $0x3  }
0x93: {  	_ =	strace s4  }
0x94: {  	s4 =	sld [smem:$0x3FFC];
	_ =	sdelay $0x3  }
0x95: {  	_ =	strace s4  }
0x96: {  	s4 =	sld [smem:$0x3FFD];
	_ =	sdelay $0x3  }
0x97: {  	_ =	strace s4  }
0x98: {  	_ =	strace $0x8FFFFFFF  }
0x99: {  	s19 =	sld [smem:$0x3FDB];
	_ =	sdelay $0x1  }
0x9a: {  	s5 =	simm.s32 $_scs_section_size  }
0x9b: {  	s6 =	simm.s32 $_size__tile_overlayer_lowered;
	s7 =	simm.s32 $_tile_overlayer_lowered  }
0x9c: {  	s22 =	simm.s32 $0x1BFF;
	s21 =	sshll.u32 s7, $0x1;
	s4 =	sadd.s32 s5, s19  }
0x9d: {  	s8 =	simm.s32 $0x0;
	s20 =	sshll.u32 s6, $0x1;
	s6 =	sadd.s32 s21, s4  }
0x9e: {  	[timem:s8], [sflag:s22] =	dma.local [hbm:s6], s20  }
0x9f: {  	_ =	swait.ge [sflag:s22], s20  }
0xa0: {  	s5 =	ssub.s32 $0x0, s20;
	[sflag:s22] =	ssyncset.done $0x0  }
0xa1: {  	[sflag:s22] =	ssyncadd.s32 s5;
	_ =	sdelay $0x1  }
0xa2: {  	s23 =	simm.s32 $0x1B8B  }
0xa3: {  	_ =	swait.ge [sflag:s23], $0x1  }
0xa4: {  	[sflag:s23] =	ssyncset.done $0x0  }
0xa5: {  	s25 =	simm.s32 $0x1B8E;
	s24 =	sld [smem:$0x3FFE];
	[sflag:s23] =	ssyncadd.s32 $0xFFFFFFFF  }
0xa6: {  	s26 =	simm.s32 $execute0_lowered;
	[smem:$0x3FD2] =	sst s25  }
0xa7: {  	s6 =	sshll.u32 s26, $0x1;
	_ =	strace $0x80000046;
	[dreg:$0x1] =	wrdreg $0xFFFFFFFF  }
0xa8: {  	s28 =	simm.s32 $_size_execute0_lowered;
	s4 =	sadd.s32 s4, s6;
	[dreg:$0x0] =	wrdreg $0x0  }
0xa9: {  	s6 =	sshll.u32 s28, $0x1;
	[dreg:$0x2] =	wrdreg s4  }
0xaa: {  	[dreg:$0x3] =	wrdreg s6  }
0xab: {  	[dreg:$0x4] =	wrdreg $0xC0  }
0xac: {  	_ =	task [dreg:s8], $0x5FFFF  }
0xad: {  	[dreg:$0x1] =	wrdreg $0xFFFFFFFF  }
0xae: {  	[dreg:$0x0] =	wrdreg $0x60  }
0xaf: {  	[dreg:$0x2] =	wrdreg s2  }
0xb0: {  	[dreg:$0x3] =	wrdreg s24  }
0xb1: {  	[dreg:$0x4] =	wrdreg s18  }
0xb2: {  	[dreg:$0x5] =	wrdreg $0x9  }
0xb3: {  	_ =	task.clear_ibuf [dreg:s8], $0x6FFFF;
	_ =	strace $0x90000046  }
0xb4: {  	s29 =	simm.s32 $0x9;
	_ =	strace $0x80000048  }
0xb5: {  	_ =	swait.ge [sflag:s29], $0x1  }
0xb6: {  	[sflag:s29] =	ssyncadd.s32 $0xFFFFFFFF  }
0xb7: {  	_ =	strace $0x90000048  }
0xb8: {  	_ =	sfence  }
0xb9: {  	s30 =	sld [smem:$0x0];
	_ =	sdelay $0x2  }
0xba: {  	s31 =	sshll.u32 s1, $0xD;
	s1 =	sshrl.u32 s1, $0x2  }
0xbb: {  	s3 =	sand.u32 $0x4000, s31;
	s1 =	sadd.s32 s1, s30  }
0xbc: {  	s0 =	sor.u32 s3, s0;
	s1 =	sshll.u32 s1, $0x11  }
0xbd: {  	s0 =	sor.u32 s1, s0  }
0xbe: {  	s0 =	sadd.s32 $0x8F2B, s0  }
0xbf: {  	[sflag:s0] =	ssyncadd.remote.s32 $0x1  }
0xc0: {  	_ =	sfence.sel $0xFFFF  }
0xc1: {  	[dreg:$0x0] =	wrdreg $0xFFFFFFFF;
	(pc) =	sbr.abs _section_cstart, $3  }
0xc2: {  	[dreg:$0x1] =	wrdreg $0xFFFFFFFF  }
0xc3: {  	_ =	task.clear_ibuf [dreg:s8], $0x2FFFF;
	_ =	strace $0x9FFFFFFF  }
0xc4: {  	(tm) =	ssettm $0x7FFFFFFF  }
0xc5: {  	_ =	shalt  }
tec
execute0_lowered:
.L_overlay_start_1:
0x0: {  	(tag) =	ssettag $0x1  }
0x1: {  	s1 =	rddreg [dreg:$0x0]  }
0x2: {  	s2 =	srdreg.scid;
	s4 =	rddreg [dreg:$0x1]  }
0x3: {  	s0 =	stileid.u32;
	s3 =	simm.s32 $0x0;
	s23 =	simm.s32 $0x880  }
0x4: {  	s24 =	simm.s32 $0x1080;
	s25 =	simm.s32 $0x1880;
	s26 =	simm.s32 $0x2080  }
0x5: {  	s11 =	simm.s32 $0x3080;
	s12 =	simm.s32 $0x3880;
	s13 =	simm.s32 $0x4080  }
0x6: {  	s14 =	simm.s32 $0x4880;
	s15 =	simm.s32 $0x5080;
	s16 =	simm.s32 $0x5880  }
0x7: {  	s17 =	simm.s32 $0x6080;
	s5 =	sand.u32 $0x1, s2;
	s2 =	rddreg [dreg:$0x2]  }
0x8: {  	s18 =	simm.s32 $0x6880;
	[smem:$0x7FF] =	sst s3;
	s9 =	sadd.s32 $0x9C00, s4  }
0x9: {  	s19 =	simm.s32 $0x7080;
	_ =	strace $0x80000047;
	[dreg:$0x4] =	wrdreg s9  }
0xa: {  	s28 =	simm.s32 $0xB080;
	s29 =	simm.s32 $0xB880;
	[dreg:$0x8] =	wrdreg s23  }
0xb: {  	s30 =	simm.s32 $0x40;
	s31 =	simm.s32 $0x1;
	[dreg:$0x9] =	wrdreg s24  }
0xc: {  	s6 =	sshll.u32 s0, $0x7;
	s7 =	sshll.u32 s5, $0x6;
	[dreg:$0xa] =	wrdreg s25  }
0xd: {  	s5 =	ssub.s32 $0x2, s5;
	s9 =	simm.s32 $0xC080;
	[dreg:$0xb] =	wrdreg s26  }
0xe: {  	s23 =	simm.s32 $0x9080;
	s24 =	simm.s32 $0x9880;
	s6 =	sor.u32 s7, s6  }
0xf: {  	s25 =	simm.s32 $0xA080;
	s26 =	simm.s32 $0xA880;
	s7 =	sshrl.u32 s6, $0x3  }
0x10: {  	s21 =	sshrl.u32 s5, $0x1;
	s6 =	sshll.u32 s6, $0x4;
	s8 =	sadd.s32 s7, s4  }
0x11: {  	s7 =	smul.u32 $0x300, s7;
	s4 =	sadd.s32 s6, s4;
	s6 =	ssub.s32 s5, s21  }
0x12: {  	s5 =	sadd.s32 $0x200, s2;
	s21 =	simm.s32 $0x8080;
	s20 =	sadd.s32 $0x9A00, s8  }
0x13: {  	s22 =	sadd.s32 $0x1A00, s4;
	s4 =	sadd.s32 $0x100, s2;
	s6 =	smax.u32 s6, $0x1  }
0x14: {  	v2 =	vlaneseq.u32;
	s8 =	simm.s32 $0x80;
	[dreg:$0x5] =	wrdreg s20;
	s1 =	sadd.s32 s1, s7  }
0x15: {  	vm0 =	vmmov $0xffff;
	v1 =	vshrl.u32 v2, $0x3;
	[dreg:$0x7] =	wrdreg s22;
	s7 =	simm.s32 $0x3;
	s20 =	simm.s32 $0x7880  }
0x16: {  	v0 =	vand.u32 $0x7, v2;
	v2 =	vor.u32 $0x8, v2;
	v1 =	vmul.u32 $0x8, v1;
	s22 =	simm.s32 $0x8880;
	[dreg:$0x6] =	wrdreg s1;
	s1 =	simm.s32 $0x2  }
.LBB2_1:
0x17: {  	s0 =	rddreg [dreg:$0x5]  }
0x18: {  	[tilespmem:s3], [sflag:$0x3] =	stream.linear.gather [hbm4b:s0+s3], $0x40, $0x38;
	[tilespmem:$0xE080] =	vst v63  }
0x19: {  	_ =	swait.ge [sflag:s7], $0x40  }
0x1a: {  	[sflag:s7] =	ssyncset.done $0x0  }
0x1b: {  	s10 =	rddreg [dreg:$0x6];
	[sflag:s7] =	ssyncadd.s32 $0xFFFFFFC0  }
0x1c: {  	[tilespmem:s8], [sflag:$0x3] =	stream.linear.gather [hbm4b:s10+s3], $0xC000, $0x38;
	[tilespmem:$0xE080] =	vst v63  }
0x1d: {  	_ =	swait.ge [sflag:s7], $0xC000  }
0x1e: {  	[sflag:s7] =	ssyncset.done $0x0  }
0x1f: {  	s10 =	rddreg [dreg:$0x7];
	[sflag:s7] =	ssyncadd.s32 $0xFFFF4000  }
0x20: {  	[tilespmem:s9], [sflag:$0x3] =	stream.linear.gather [hbm4b:s10+s3], $0x2000, $0x38;
	[tilespmem:$0xE080] =	vst v63  }
0x21: {  	_ =	swait.ge [sflag:s7], $0x2000  }
0x22: {  	[sflag:s7] =	ssyncset.done $0x0  }
0x23: {  	[sflag:s7] =	ssyncadd.s32 $0xFFFFE000  }
0x24: {  	v3 =	vld [tilespmem:$0x0];
	_ =	sdelay $0x4  }
0x25: {  	v4 =	vshrl.u32 v3, $0x3  }
0x26: {  	v4 =	vmul.u32 $0x30, v4  }
0x27: {  	v3 =	vand.u32 $0x7, v3  }
0x28: {  	v3 =	vor.u32 v3, v4  }
0x29: {  	v4 =	vperm.xlane v3, v0;
	_ =	sdelay $0x1  }
0x2a: {  	v4 =	vadd.s32 v1, v4;
	_ =	sdelay $0x3  }
0x2b: {  	v3 =	vperm.xlane v3, v2  }
0x2c: {  	[hbm4b:s2+s3] =	stream.indirect_vreg.scatter [tilespmem:s8], [sflag:$0x1], $0x80, v4, vm0, $0xb8;
	[tilespmem:$0xE080] =	vst v63  }
0x2d: {  	s0 =	rddreg [dreg:$0x8];
	v3 =	vadd.s32 v1, v3  }
0x2e: {  	[hbm4b:s4+s3] =	stream.indirect_vreg.scatter [tilespmem:s0], [sflag:$0x1], $0x80, v4, vm0, $0xb8;
	[tilespmem:$0xE080] =	vst v63  }
0x2f: {  	s10 =	rddreg [dreg:$0x9]  }
0x30: {  	[hbm4b:s5+s3] =	stream.indirect_vreg.scatter [tilespmem:s10], [sflag:$0x1], $0x80, v4, vm0, $0xb8;
	[tilespmem:$0xE080] =	vst v63  }
0x31: {  	s0 =	rddreg [dreg:$0xa]  }
0x32: {  	[hbm4b:s2+s3] =	stream.indirect_vreg.scatter [tilespmem:s0], [sflag:$0x1], $0x80, v3, vm0, $0xb8;
	[tilespmem:$0xE080] =	vst v63  }
0x33: {  	s10 =	rddreg [dreg:$0xb]  }
0x34: {  	[hbm4b:s4+s3] =	stream.indirect_vreg.scatter [tilespmem:s10], [sflag:$0x1], $0x80, v3, vm0, $0xb8;
	[tilespmem:$0xE080] =	vst v63  }
0x35: {  	s10 =	simm.s32 $0x2880  }
0x36: {  	[hbm4b:s5+s3] =	stream.indirect_vreg.scatter [tilespmem:s10], [sflag:$0x1], $0x80, v3, vm0, $0xb8;
	[tilespmem:$0xE080] =	vst v63  }
0x37: {  	v3 =	vld [tilespmem:$0x10];
	_ =	sdelay $0x4  }
0x38: {  	v61 =	vshrl.u32 v3, $0x3  }
0x39: {  	v4 =	vmul.u32 $0x30, v61  }
0x3a: {  	v3 =	vand.u32 $0x7, v3  }
0x3b: {  	v3 =	vor.u32 v3, v4  }
0x3c: {  	v4 =	vperm.xlane v3, v0;
	_ =	sdelay $0x1  }
0x3d: {  	v4 =	vadd.s32 v1, v4;
	_ =	sdelay $0x3  }
0x3e: {  	v3 =	vperm.xlane v3, v2  }
0x3f: {  	[hbm4b:s2+s3] =	stream.indirect_vreg.scatter [tilespmem:s11], [sflag:$0x1], $0x80, v4, vm0, $0xb8;
	[tilespmem:$0xE080] =	vst v63  }
0x40: {  	v3 =	vadd.s32 v1, v3  }
0x41: {  	[hbm4b:s4+s3] =	stream.indirect_vreg.scatter [tilespmem:s12], [sflag:$0x1], $0x80, v4, vm0, $0xb8;
	[tilespmem:$0xE080] =	vst v63  }
0x42: {  	_ = 	snop  }
0x43: {  	[hbm4b:s5+s3] =	stream.indirect_vreg.scatter [tilespmem:s13], [sflag:$0x1], $0x80, v4, vm0, $0xb8;
	[tilespmem:$0xE080] =	vst v63  }
0x44: {  	_ = 	snop  }
0x45: {  	[hbm4b:s2+s3] =	stream.indirect_vreg.scatter [tilespmem:s14], [sflag:$0x1], $0x80, v3, vm0, $0xb8;
	[tilespmem:$0xE080] =	vst v63  }
0x46: {  	_ = 	snop  }
0x47: {  	[hbm4b:s4+s3] =	stream.indirect_vreg.scatter [tilespmem:s15], [sflag:$0x1], $0x80, v3, vm0, $0xb8;
	[tilespmem:$0xE080] =	vst v63  }
0x48: {  	_ = 	snop  }
0x49: {  	[hbm4b:s5+s3] =	stream.indirect_vreg.scatter [tilespmem:s16], [sflag:$0x1], $0x80, v3, vm0, $0xb8;
	[tilespmem:$0xE080] =	vst v63  }
0x4a: {  	v3 =	vld [tilespmem:$0x20];
	_ =	sdelay $0x4  }
0x4b: {  	v62 =	vshrl.u32 v3, $0x3  }
0x4c: {  	v4 =	vmul.u32 $0x30, v62  }
0x4d: {  	v3 =	vand.u32 $0x7, v3  }
0x4e: {  	v3 =	vor.u32 v3, v4  }
0x4f: {  	v4 =	vperm.xlane v3, v0;
	_ =	sdelay $0x1  }
0x50: {  	v4 =	vadd.s32 v1, v4;
	_ =	sdelay $0x3  }
0x51: {  	v3 =	vperm.xlane v3, v2  }
0x52: {  	[hbm4b:s2+s3] =	stream.indirect_vreg.scatter [tilespmem:s17], [sflag:$0x1], $0x80, v4, vm0, $0xb8;
	[tilespmem:$0xE080] =	vst v63  }
0x53: {  	v3 =	vadd.s32 v1, v3  }
0x54: {  	[hbm4b:s4+s3] =	stream.indirect_vreg.scatter [tilespmem:s18], [sflag:$0x1], $0x80, v4, vm0, $0xb8;
	[tilespmem:$0xE080] =	vst v63  }
0x55: {  	_ = 	snop  }
0x56: {  	[hbm4b:s5+s3] =	stream.indirect_vreg.scatter [tilespmem:s19], [sflag:$0x1], $0x80, v4, vm0, $0xb8;
	[tilespmem:$0xE080] =	vst v63  }
0x57: {  	_ = 	snop  }
0x58: {  	[hbm4b:s2+s3] =	stream.indirect_vreg.scatter [tilespmem:s20], [sflag:$0x1], $0x80, v3, vm0, $0xb8;
	[tilespmem:$0xE080] =	vst v63  }
0x59: {  	_ = 	snop  }
0x5a: {  	[hbm4b:s4+s3] =	stream.indirect_vreg.scatter [tilespmem:s21], [sflag:$0x1], $0x80, v3, vm0, $0xb8;
	[tilespmem:$0xE080] =	vst v63  }
0x5b: {  	_ = 	snop  }
0x5c: {  	[hbm4b:s5+s3] =	stream.indirect_vreg.scatter [tilespmem:s22], [sflag:$0x1], $0x80, v3, vm0, $0xb8;
	[tilespmem:$0xE080] =	vst v63  }
0x5d: {  	v3 =	vld [tilespmem:$0x30];
	_ =	sdelay $0x4  }
0x5e: {  	v63 =	vshrl.u32 v3, $0x3  }
0x5f: {  	v4 =	vmul.u32 $0x30, v63  }
0x60: {  	v3 =	vand.u32 $0x7, v3  }
0x61: {  	v3 =	vor.u32 v3, v4  }
0x62: {  	v4 =	vperm.xlane v3, v0;
	_ =	sdelay $0x1  }
0x63: {  	v4 =	vadd.s32 v1, v4;
	_ =	sdelay $0x3  }
0x64: {  	v3 =	vperm.xlane v3, v2  }
0x65: {  	[hbm4b:s2+s3] =	stream.indirect_vreg.scatter [tilespmem:s23], [sflag:$0x1], $0x80, v4, vm0, $0xb8;
	[tilespmem:$0xE080] =	vst v63  }
0x66: {  	v3 =	vadd.s32 v1, v3  }
0x67: {  	[hbm4b:s4+s3] =	stream.indirect_vreg.scatter [tilespmem:s24], [sflag:$0x1], $0x80, v4, vm0, $0xb8;
	[tilespmem:$0xE080] =	vst v63  }
0x68: {  	_ = 	snop  }
0x69: {  	[hbm4b:s5+s3] =	stream.indirect_vreg.scatter [tilespmem:s25], [sflag:$0x1], $0x80, v4, vm0, $0xb8;
	[tilespmem:$0xE080] =	vst v63  }
0x6a: {  	_ = 	snop  }
0x6b: {  	[hbm4b:s2+s3] =	stream.indirect_vreg.scatter [tilespmem:s26], [sflag:$0x1], $0x80, v3, vm0, $0xb8;
	[tilespmem:$0xE080] =	vst v63  }
0x6c: {  	_ = 	snop  }
0x6d: {  	[hbm4b:s4+s3] =	stream.indirect_vreg.scatter [tilespmem:s28], [sflag:$0x1], $0x80, v3, vm0, $0xb8;
	[tilespmem:$0xE080] =	vst v63  }
0x6e: {  	_ = 	snop  }
0x6f: {  	[hbm4b:s5+s3] =	stream.indirect_vreg.scatter [tilespmem:s29], [sflag:$0x1], $0x80, v3, vm0, $0xb8;
	[tilespmem:$0xE080] =	vst v63  }
0x70: {  	s10 =	rddreg [dreg:$0x4]  }
0x71: {  	[hbm4b:s10+s30] =	stream.indirect.scatter [tilespmem:s9], [sflag:$0x2], $0x80, s3, s30, $0xb8;
	[tilespmem:$0xE080] =	vst v63  }
0x72: {  	p0 =	sne.s32 s6, $0x1;
	_ =	swait.ge [sflag:s31], $0xC000  }
.Ltmp0:
0x73: {  	[sflag:s31] =	ssyncset.done $0x0;
	(pc) =	sbr.rel @p0 .LBB2_1-.Ltmp0, $4  }
0x74: {  	[sflag:s31] =	ssyncadd.s32 $0xFFFF4000  }
0x75: {  	_ =	swait.ge [sflag:s1], $0x2000  }
0x76: {  	[sflag:s1] =	ssyncset.done $0x0  }
0x77: {  	s6 =	sadd.s32 $0xFFFFFFFF, s6;
	[sflag:s1] =	ssyncadd.s32 $0xFFFFE000  }
0x78: {  	_ =	sfence.sel $0x180000  }
0x79: {  	[bflag:$0x0] =	sbarrier.arrive $0xFFFF  }
0x7a: {  	_ =	strace $0x90000047  }
0x7b: {  	s0 =	stileid.u32;
	[bflag:$0x2] =	sbarrier.arrive $0xFFFF  }
0x7c: {  	p0 =	sne.s32 s0, $0x0;
	s0 =	rddreg [dreg:$0x3]  }
0x7d: {  	s0 =	sadd.s32 @!p0 $0x100000, s0  }
0x7e: {  	[sflag:s0] =	ssyncadd.tile.s32 @!p0 $0x1;
	_ =	shalt  }
.Lfunc_end2:
_tile_overlayer_lowered:
.L_overlay_start_2:
0x7f: {  	(tag) =	ssettag $0x2  }
0x80: {  	s0 =	rddreg [dreg:$0x0];
	s2 =	stileid.u32  }
0x81: {  	s1 =	rddreg [dreg:$0x1];
	p0 =	sne.s32 s2, $0x0  }
0x82: {  	s3 =	rddreg [dreg:$0x2];
	[bflag:$0x3] =	sbarrier.arrive $0xFFFF;
	s2 =	simm.s32 @!p0 $0x1C03  }
0x83: {  	[timem:s3], [sflag:s2] =	dma.local @!p0 [hbm:s0], s1  }
0x84: {  	s0 =	simm.s32 @!p0 $0x3  }
0x85: {  	_ =	swait.ge @!p0 [sflag:s0], s1  }
0x86: {  	s1 =	ssub.s32 @!p0 $0x0, s1;
	[sflag:s0] =	ssyncset.done @!p0 $0x0  }
0x87: {  	[sflag:s0] =	ssyncadd.s32 @!p0 s1  }
0x88: {  	[bflag:$0x3] =	sbarrier.arrive $0xFFFF  }
0x89: {  	_ =	shalt  }

// kernel: kernel.9.cloned.1.call-start
scs
__scs_entry_jumppad:
0x0: {  	(pc) =	sbr.rel $0x88, $3  }
0x1: {  	(tag) =	ssettag $0x0;
	lr =	simm.s32 $0x1  }
0x2: {  	[smem:$0x3F9A] =	sst lr;
	_ =	strace $0xD0000000  }
0x3: {  	_ = 	snop  }
0x4: {  	_ = 	snop  }
0x5: {  	_ = 	snop  }
0x6: {  	_ = 	snop  }
0x7: {  	_ = 	snop  }
__scs_overlays_trampoline_lowered:
0x8: {  	[smem:$0x3FA9] =	sst s0  }
0x9: {  	[smem:$0x3FAA] =	sst s1  }
0xa: {  	[smem:$0x3FAB] =	sst s2  }
0xb: {  	[smem:$0x3FAC] =	sst s3  }
0xc: {  	[smem:$0x3FAD] =	sst s4  }
0xd: {  	[smem:$0x3FAE] =	sst s5  }
0xe: {  	[smem:$0x3FAF] =	sst s6  }
0xf: {  	[smem:$0x3FB0] =	sst s7  }
0x10: {  	[smem:$0x3FB1] =	sst s8  }
0x11: {  	[smem:$0x3FB2] =	sst s9;
	s0 =	simm.s32 @!p0 $0x0  }
0x12: {  	s1 =	sld [smem:$0x3F98];
	s0 =	simm.s32 @p0 $0x1  }
0x13: {  	[smem:$0x3FB3] =	sst s0;
	s0 =	simm.s32 @!p1 $0x0  }
0x14: {  	s2 =	sld [smem:$0x3F97];
	s0 =	simm.s32 @p1 $0x1  }
0x15: {  	[smem:$0x3FB4] =	sst s0;
	s0 =	simm.s32 @!p2 $0x0  }
0x16: {  	s3 =	sld [smem:$0x3FDB];
	s0 =	simm.s32 @p2 $0x1  }
0x17: {  	s4 =	simm.s32 $0x1BF5;
	[smem:$0x3FB6] =	sst s0  }
0x18: {  	s0 =	sld [smem:$0x3F99];
	_ =	swait.ge [sflag:s4], $0x0  }
0x19: {  	s7 =	sld [smem:$0x3F9A]  }
0x1a: {  	s8 =	sadd.s32 $0xFFFFE003, lr  }
0x1b: {  	s9 =	sadd.s32 $0xFFFFFEF7, lr;
	s5 =	simm.s32 $0xFFFFFFFF;
	p2 =	slt.u32 s8, $0xFFFFF086  }
0x1c: {  	p1 =	slt.u32 s9, $0xF7A;
	s5 =	simm.s32 @!p2 $0x0  }
0x1d: {  	s5 =	simm.s32 @p1 $0x1;
	p0 =	seq.s32 s7, s2  }
0x1e: {  	s7 =	smul.u32 @!p0 $0xF7A, s2;
	p2 =	seq.s32 @!p0 s5, $0x0  }
0x1f: {  	s9 =	smul.u32 $0xF7A, s1;
	s8 =	simm.s32 @!p0 $0x1BF5;
	p2 =	por !p2, p0  }
0x20: {  	[sflag:s8] =	ssyncset.s32 @!p0 $0xFFFFF086;
	s6 =	sadd.s32 @!p0 s3, s7;
	s7 =	simm.s32 @!p0 $0x108  }
0x21: {  	s3 =	sadd.s32 s3, s9;
	s6 =	sadd.s32 @!p0 $0x88, s6;
	s7 =	simm.s32 @p2 $0x1082  }
0x22: {  	[simem:s7], [sflag:s8] =	dma.local @!p0 [hbm:s6], $0xF7A  }
0x23: {  	s9 =	sor.u32 $0xD0000000, s2;
	s6 =	simm.s32 $0x108;
	_ =	swait.ge @!p0 [sflag:s8], $0x0  }
0x24: {  	s3 =	sadd.s32 $0x88, s3;
	s6 =	simm.s32 @!p1 $0x1082;
	[sflag:s4] =	ssyncset.s32 $0xFFFFF086  }
0x25: {  	[simem:s6], [sflag:s4] =	dma.local [hbm:s3], $0xF7A  }
0x26: {  	[smem:$0x3F9A] =	sst s1;
	(tag) =	ssettag s2;
	_ =	strace s9  }
0x27: {  	s1 =	sld [smem:$0x3FAA]  }
0x28: {  	s2 =	sld [smem:$0x3FAB]  }
0x29: {  	s4 =	sld [smem:$0x3FAD]  }
0x2a: {  	p0 =	seq.s32 s5, $0x0;
	s5 =	sld [smem:$0x3FAE]  }
0x2b: {  	s6 =	sld [smem:$0x3FAF]  }
0x2c: {  	s7 =	sld [smem:$0x3FB0]  }
0x2d: {  	s3 =	simm.s32 $0x108;
	s8 =	sld [smem:$0x3FB1]  }
0x2e: {  	s3 =	simm.s32 @!p0 $0x1082;
	s9 =	sld [smem:$0x3FB2]  }
0x2f: {  	lr =	sadd.s32 s0, s3;
	s0 =	sld [smem:$0x3FA9]  }
0x30: {  	s3 =	sld [smem:$0x3FAC]  }
0x31: {  	[smem:$0x3FB5] =	sst s10  }
0x32: {  	s10 =	sld [smem:$0x3FB3];
	_ =	sdelay $0x3  }
0x33: {  	p0 =	seq.s32 s10, $0x1;
	s10 =	sld [smem:$0x3FB5];
	_ =	sdelay $0x3  }
0x34: {  	[smem:$0x3FB5] =	sst s10  }
0x35: {  	s10 =	sld [smem:$0x3FB4];
	_ =	sdelay $0x3  }
0x36: {  	p1 =	seq.s32 s10, $0x1;
	s10 =	sld [smem:$0x3FB5];
	_ =	sdelay $0x3  }
0x37: {  	[smem:$0x3FB5] =	sst s10  }
0x38: {  	s10 =	sld [smem:$0x3FB6]  }
0x39: {  	_ = 	snop;
	(pc) =	sbr.ind lr, $3  }
0x3a: {  	_ = 	snop  }
0x3b: {  	_ = 	snop  }
0x3c: {  	p2 =	seq.s32 s10, $0x1;
	s10 =	sld [smem:$0x3FB5]  }
0x3d: {  	_ =	shalt  }
0x3e: {  	_ =	shalt  }
0x3f: {  	_ =	shalt  }
0x40: {  	_ =	shalt  }
0x41: {  	_ =	shalt  }
0x42: {  	_ =	shalt  }
0x43: {  	_ =	shalt  }
0x44: {  	_ =	shalt  }
0x45: {  	_ =	shalt  }
0x46: {  	_ =	shalt  }
0x47: {  	_ =	shalt  }
0x48: {  	_ =	shalt  }
0x49: {  	_ =	shalt  }
0x4a: {  	_ =	shalt  }
0x4b: {  	_ =	shalt  }
0x4c: {  	_ =	shalt  }
0x4d: {  	_ =	shalt  }
0x4e: {  	_ =	shalt  }
0x4f: {  	_ =	shalt  }
0x50: {  	_ =	shalt  }
0x51: {  	_ =	shalt  }
0x52: {  	_ =	shalt  }
0x53: {  	_ =	shalt  }
0x54: {  	_ =	shalt  }
0x55: {  	_ =	shalt  }
0x56: {  	_ =	shalt  }
0x57: {  	_ =	shalt  }
0x58: {  	_ =	shalt  }
0x59: {  	_ =	shalt  }
0x5a: {  	_ =	shalt  }
0x5b: {  	_ =	shalt  }
0x5c: {  	_ =	shalt  }
0x5d: {  	_ =	shalt  }
0x5e: {  	_ =	shalt  }
0x5f: {  	_ =	shalt  }
0x60: {  	_ =	shalt  }
0x61: {  	_ =	shalt  }
0x62: {  	_ =	shalt  }
0x63: {  	_ =	shalt  }
0x64: {  	_ =	shalt  }
0x65: {  	_ =	shalt  }
0x66: {  	_ =	shalt  }
0x67: {  	_ =	shalt  }
0x68: {  	_ =	shalt  }
0x69: {  	_ =	shalt  }
0x6a: {  	_ =	shalt  }
0x6b: {  	_ =	shalt  }
0x6c: {  	_ =	shalt  }
0x6d: {  	_ =	shalt  }
0x6e: {  	_ =	shalt  }
0x6f: {  	_ =	shalt  }
0x70: {  	_ =	shalt  }
0x71: {  	_ =	shalt  }
0x72: {  	_ =	shalt  }
0x73: {  	_ =	shalt  }
0x74: {  	_ =	shalt  }
0x75: {  	_ =	shalt  }
0x76: {  	_ =	shalt  }
0x77: {  	_ =	shalt  }
0x78: {  	_ =	shalt  }
0x79: {  	_ =	shalt  }
0x7a: {  	_ =	shalt  }
0x7b: {  	_ =	shalt  }
0x7c: {  	_ =	shalt  }
0x7d: {  	_ =	shalt  }
0x7e: {  	_ =	shalt  }
0x7f: {  	_ =	shalt  }
0x80: {  	_ =	shalt  }
0x81: {  	_ =	shalt  }
0x82: {  	_ =	shalt  }
0x83: {  	_ =	shalt  }
0x84: {  	_ =	shalt  }
0x85: {  	_ =	shalt  }
0x86: {  	_ =	shalt  }
0x87: {  	_ =	shalt  }
.Lfunc_end0:
.L_simem_size_0:
called_computation.1_lowered:
.L_overlay_start_0:
0x88: {  	s2 =	sld [smem:$0x3FD9]  }
0x89: {  	s3 =	sld [smem:$0x3FFE];
	_ =	sdelay $0x1  }
0x8a: {  	s1 =	srdreg.scid  }
0x8b: {  	s0 =	sand.u32 $0x1, s1  }
0x8c: {  	s17 =	sshll.u32 s0, $0xA;
	s2 =	sadd.s32 s3, s2  }
0x8d: {  	s2 =	sadd.s32 s2, s17  }
0x8e: {  	[smem:$0x3FC1] =	sst s2  }
0x8f: {  	_ = 	snop  }
0x90: {  	s2 =	sld [smem:$0x3FD0];
	(tm) =	ssettm $0x1  }
0x91: {  	s18 =	sld [smem:$0x3FFB];
	_ =	sdelay $0x3  }
0x92: {  	_ =	strace s18  }
0x93: {  	s3 =	sld [smem:$0x3FFC];
	_ =	sdelay $0x3  }
0x94: {  	_ =	strace s3  }
0x95: {  	s3 =	sld [smem:$0x3FFD];
	_ =	sdelay $0x3  }
0x96: {  	_ =	strace s3  }
0x97: {  	_ =	strace $0x8FFFFFFF  }
0x98: {  	s19 =	sld [smem:$0x3FDB];
	_ =	sdelay $0x1  }
0x99: {  	s4 =	simm.s32 $_scs_section_size  }
0x9a: {  	s5 =	simm.s32 $_size__tile_overlayer_lowered;
	s6 =	simm.s32 $_tile_overlayer_lowered  }
0x9b: {  	s22 =	simm.s32 $0x1BFF;
	s21 =	sshll.u32 s6, $0x1;
	s3 =	sadd.s32 s4, s19  }
0x9c: {  	s7 =	simm.s32 $0x0;
	s20 =	sshll.u32 s5, $0x1;
	s5 =	sadd.s32 s21, s3  }
0x9d: {  	[timem:s7], [sflag:s22] =	dma.local [hbm:s5], s20  }
0x9e: {  	_ =	swait.ge [sflag:s22], s20  }
0x9f: {  	s4 =	ssub.s32 $0x0, s20;
	[sflag:s22] =	ssyncset.done $0x0  }
0xa0: {  	[sflag:s22] =	ssyncadd.s32 s4;
	_ =	sdelay $0x1  }
0xa1: {  	s23 =	simm.s32 $0x1B8B  }
0xa2: {  	_ =	swait.ge [sflag:s23], $0x1  }
0xa3: {  	[sflag:s23] =	ssyncset.done $0x0  }
0xa4: {  	s25 =	simm.s32 $0x1B8E;
	s24 =	sld [smem:$0x3FFE];
	[sflag:s23] =	ssyncadd.s32 $0xFFFFFFFF  }
0xa5: {  	s26 =	simm.s32 $execute0_lowered;
	[smem:$0x3FD2] =	sst s25  }
0xa6: {  	s5 =	sshll.u32 s26, $0x1;
	_ =	strace $0x80000049;
	[dreg:$0x1] =	wrdreg $0xFFFFFFFF  }
0xa7: {  	s28 =	simm.s32 $_size_execute0_lowered;
	s3 =	sadd.s32 s3, s5;
	[dreg:$0x0] =	wrdreg $0x0  }
0xa8: {  	s5 =	sshll.u32 s28, $0x1;
	[dreg:$0x2] =	wrdreg s3  }
0xa9: {  	[dreg:$0x3] =	wrdreg s5  }
0xaa: {  	[dreg:$0x4] =	wrdreg $0xC0  }
0xab: {  	_ =	task [dreg:s7], $0x5FFFF  }
0xac: {  	[dreg:$0x1] =	wrdreg $0xFFFFFFFF  }
0xad: {  	[dreg:$0x0] =	wrdreg $0x60  }
0xae: {  	[dreg:$0x2] =	wrdreg s24  }
0xaf: {  	[dreg:$0x3] =	wrdreg s2  }
0xb0: {  	[dreg:$0x4] =	wrdreg $0x9  }
0xb1: {  	_ =	task.clear_ibuf [dreg:s7], $0x5FFFF;
	_ =	strace $0x90000049  }
0xb2: {  	s29 =	simm.s32 $0x9;
	_ =	strace $0x8000004B  }
0xb3: {  	_ =	swait.ge [sflag:s29], $0x1  }
0xb4: {  	[sflag:s29] =	ssyncadd.s32 $0xFFFFFFFF  }
0xb5: {  	_ =	strace $0x9000004B  }
0xb6: {  	_ =	sfence  }
0xb7: {  	s30 =	sld [smem:$0x0];
	_ =	sdelay $0x2  }
0xb8: {  	s31 =	sshll.u32 s1, $0xD;
	s1 =	sshrl.u32 s1, $0x2  }
0xb9: {  	s3 =	sand.u32 $0x4000, s31;
	s1 =	sadd.s32 s1, s30  }
0xba: {  	s0 =	sor.u32 s3, s0;
	s1 =	sshll.u32 s1, $0x11  }
0xbb: {  	s0 =	sor.u32 s1, s0  }
0xbc: {  	s0 =	sadd.s32 $0x8F2B, s0  }
0xbd: {  	[sflag:s0] =	ssyncadd.remote.s32 $0x1  }
0xbe: {  	_ =	sfence.sel $0xFFFF  }
0xbf: {  	[dreg:$0x0] =	wrdreg $0xFFFFFFFF;
	(pc) =	sbr.abs _section_cstart, $3  }
0xc0: {  	[dreg:$0x1] =	wrdreg $0xFFFFFFFF  }
0xc1: {  	_ =	task.clear_ibuf [dreg:s7], $0x2FFFF;
	_ =	strace $0x9FFFFFFF  }
0xc2: {  	(tm) =	ssettm $0x7FFFFFFF  }
0xc3: {  	_ =	shalt  }
tec
execute0_lowered:
.L_overlay_start_1:
0x0: {  	(tag) =	ssettag $0x1  }
0x1: {  	s0 =	rddreg [dreg:$0x0]  }
0x2: {  	s5 =	rddreg [dreg:$0x1];
	s3 =	srdreg.scid  }
0x3: {  	s2 =	simm.s32 $0x0;
	s1 =	stileid.u32;
	s26 =	simm.s32 $0x880  }
0x4: {  	s10 =	simm.s32 $0x1880;
	s11 =	simm.s32 $0x2080;
	s12 =	simm.s32 $0x2880  }
0x5: {  	s13 =	simm.s32 $0x3080;
	s14 =	simm.s32 $0x3880;
	s15 =	simm.s32 $0x4080  }
0x6: {  	s16 =	simm.s32 $0x4880;
	s17 =	simm.s32 $0x5080;
	s18 =	simm.s32 $0x5880  }
0x7: {  	s19 =	simm.s32 $0x6080;
	s20 =	simm.s32 $0x6880;
	s21 =	simm.s32 $0x7080  }
0x8: {  	s22 =	simm.s32 $0x7880;
	s28 =	simm.s32 $0xA080;
	s29 =	simm.s32 $0xA880  }
0x9: {  	s30 =	simm.s32 $0xB080;
	s31 =	simm.s32 $0xB880;
	s3 =	sand.u32 $0x1, s3  }
0xa: {  	[smem:$0x7FF] =	sst s2;
	s4 =	sshll.u32 s1, $0x4;
	s6 =	sshll.u32 s3, $0x3  }
0xb: {  	_ =	strace $0x8000004A;
	s23 =	ssub.s32 $0x2, s3;
	s3 =	sadd.s32 $0x9C00, s0  }
0xc: {  	[dreg:$0x5] =	wrdreg s26;
	s26 =	simm.s32 $0x9880;
	s4 =	sor.u32 s6, s4  }
0xd: {  	s8 =	sshrl.u32 s23, $0x1;
	s7 =	sadd.s32 s4, s0;
	s9 =	smul.u32 $0x300, s4  }
0xe: {  	s6 =	ssub.s32 s23, s8;
	s4 =	sadd.s32 $0x9D00, s0;
	s8 =	simm.s32 $0x80  }
0xf: {  	s23 =	simm.s32 $0x8080;
	s24 =	sadd.s32 $0x9A00, s7;
	s6 =	smax.u32 s6, $0x1  }
0x10: {  	v2 =	vlaneseq.u32;
	s7 =	simm.s32 $0x2;
	[dreg:$0x3] =	wrdreg s24;
	s25 =	sadd.s32 s5, s9  }
0x11: {  	vm0 =	vmmov $0xffff;
	v1 =	vshrl.u32 v2, $0x3;
	s5 =	sadd.s32 $0x9E00, s0;
	s9 =	simm.s32 $0x1080;
	s24 =	simm.s32 $0x8880  }
0x12: {  	v0 =	vand.u32 $0x7, v2;
	v2 =	vor.u32 $0x8, v2;
	v1 =	vmul.u32 $0x8, v1;
	s0 =	simm.s32 $0x1;
	[dreg:$0x4] =	wrdreg s25;
	s25 =	simm.s32 $0x9080  }
.LBB2_1:
0x13: {  	s1 =	rddreg [dreg:$0x3]  }
0x14: {  	[tilespmem:s2], [sflag:$0x2] =	stream.linear.gather [hbm4b:s1+s2], $0x40, $0x38;
	[tilespmem:$0xC080] =	vst v63  }
0x15: {  	_ =	swait.ge [sflag:s7], $0x40  }
0x16: {  	[sflag:s7] =	ssyncset.done $0x0  }
0x17: {  	[sflag:s7] =	ssyncadd.s32 $0xFFFFFFC0  }
0x18: {  	v3 =	vld [tilespmem:$0x0];
	_ =	sdelay $0x4  }
0x19: {  	v4 =	vshrl.u32 v3, $0x3  }
0x1a: {  	v4 =	vmul.u32 $0x30, v4  }
0x1b: {  	v3 =	vand.u32 $0x7, v3  }
0x1c: {  	v3 =	vor.u32 v3, v4  }
0x1d: {  	v4 =	vperm.xlane v3, v0;
	_ =	sdelay $0x1  }
0x1e: {  	v4 =	vadd.s32 v1, v4;
	_ =	sdelay $0x3  }
0x1f: {  	v3 =	vperm.xlane v3, v2  }
0x20: {  	[tilespmem:s8], [sflag:$0x1] =	stream.indirect_vreg.gather [hbm4b:s3+s2], $0x80, v4, vm0, $0xb8;
	[tilespmem:$0xC080] =	vst v63  }
0x21: {  	s1 =	rddreg [dreg:$0x5];
	v3 =	vadd.s32 v1, v3  }
0x22: {  	[tilespmem:s1], [sflag:$0x1] =	stream.indirect_vreg.gather [hbm4b:s4+s2], $0x80, v4, vm0, $0xb8;
	[tilespmem:$0xC080] =	vst v63  }
0x23: {  	_ = 	snop  }
0x24: {  	[tilespmem:s9], [sflag:$0x1] =	stream.indirect_vreg.gather [hbm4b:s5+s2], $0x80, v4, vm0, $0xb8;
	[tilespmem:$0xC080] =	vst v63  }
0x25: {  	_ = 	snop  }
0x26: {  	[tilespmem:s10], [sflag:$0x1] =	stream.indirect_vreg.gather [hbm4b:s3+s2], $0x80, v3, vm0, $0xb8;
	[tilespmem:$0xC080] =	vst v63  }
0x27: {  	_ = 	snop  }
0x28: {  	[tilespmem:s11], [sflag:$0x1] =	stream.indirect_vreg.gather [hbm4b:s4+s2], $0x80, v3, vm0, $0xb8;
	[tilespmem:$0xC080] =	vst v63  }
0x29: {  	_ = 	snop  }
0x2a: {  	[tilespmem:s12], [sflag:$0x1] =	stream.indirect_vreg.gather [hbm4b:s5+s2], $0x80, v3, vm0, $0xb8;
	[tilespmem:$0xC080] =	vst v63  }
0x2b: {  	v3 =	vld [tilespmem:$0x10];
	_ =	sdelay $0x4  }
0x2c: {  	v61 =	vshrl.u32 v3, $0x3  }
0x2d: {  	v4 =	vmul.u32 $0x30, v61  }
0x2e: {  	v3 =	vand.u32 $0x7, v3  }
0x2f: {  	v3 =	vor.u32 v3, v4  }
0x30: {  	v4 =	vperm.xlane v3, v0;
	_ =	sdelay $0x1  }
0x31: {  	v4 =	vadd.s32 v1, v4;
	_ =	sdelay $0x3  }
0x32: {  	v3 =	vperm.xlane v3, v2  }
0x33: {  	[tilespmem:s13], [sflag:$0x1] =	stream.indirect_vreg.gather [hbm4b:s3+s2], $0x80, v4, vm0, $0xb8;
	[tilespmem:$0xC080] =	vst v63  }
0x34: {  	v3 =	vadd.s32 v1, v3  }
0x35: {  	[tilespmem:s14], [sflag:$0x1] =	stream.indirect_vreg.gather [hbm4b:s4+s2], $0x80, v4, vm0, $0xb8;
	[tilespmem:$0xC080] =	vst v63  }
0x36: {  	_ = 	snop  }
0x37: {  	[tilespmem:s15], [sflag:$0x1] =	stream.indirect_vreg.gather [hbm4b:s5+s2], $0x80, v4, vm0, $0xb8;
	[tilespmem:$0xC080] =	vst v63  }
0x38: {  	_ = 	snop  }
0x39: {  	[tilespmem:s16], [sflag:$0x1] =	stream.indirect_vreg.gather [hbm4b:s3+s2], $0x80, v3, vm0, $0xb8;
	[tilespmem:$0xC080] =	vst v63  }
0x3a: {  	_ = 	snop  }
0x3b: {  	[tilespmem:s17], [sflag:$0x1] =	stream.indirect_vreg.gather [hbm4b:s4+s2], $0x80, v3, vm0, $0xb8;
	[tilespmem:$0xC080] =	vst v63  }
0x3c: {  	_ = 	snop  }
0x3d: {  	[tilespmem:s18], [sflag:$0x1] =	stream.indirect_vreg.gather [hbm4b:s5+s2], $0x80, v3, vm0, $0xb8;
	[tilespmem:$0xC080] =	vst v63  }
0x3e: {  	v3 =	vld [tilespmem:$0x20];
	_ =	sdelay $0x4  }
0x3f: {  	v62 =	vshrl.u32 v3, $0x3  }
0x40: {  	v4 =	vmul.u32 $0x30, v62  }
0x41: {  	v3 =	vand.u32 $0x7, v3  }
0x42: {  	v3 =	vor.u32 v3, v4  }
0x43: {  	v4 =	vperm.xlane v3, v0;
	_ =	sdelay $0x1  }
0x44: {  	v4 =	vadd.s32 v1, v4;
	_ =	sdelay $0x3  }
0x45: {  	v3 =	vperm.xlane v3, v2  }
0x46: {  	[tilespmem:s19], [sflag:$0x1] =	stream.indirect_vreg.gather [hbm4b:s3+s2], $0x80, v4, vm0, $0xb8;
	[tilespmem:$0xC080] =	vst v63  }
0x47: {  	v3 =	vadd.s32 v1, v3  }
0x48: {  	[tilespmem:s20], [sflag:$0x1] =	stream.indirect_vreg.gather [hbm4b:s4+s2], $0x80, v4, vm0, $0xb8;
	[tilespmem:$0xC080] =	vst v63  }
0x49: {  	_ = 	snop  }
0x4a: {  	[tilespmem:s21], [sflag:$0x1] =	stream.indirect_vreg.gather [hbm4b:s5+s2], $0x80, v4, vm0, $0xb8;
	[tilespmem:$0xC080] =	vst v63  }
0x4b: {  	_ = 	snop  }
0x4c: {  	[tilespmem:s22], [sflag:$0x1] =	stream.indirect_vreg.gather [hbm4b:s3+s2], $0x80, v3, vm0, $0xb8;
	[tilespmem:$0xC080] =	vst v63  }
0x4d: {  	_ = 	snop  }
0x4e: {  	[tilespmem:s23], [sflag:$0x1] =	stream.indirect_vreg.gather [hbm4b:s4+s2], $0x80, v3, vm0, $0xb8;
	[tilespmem:$0xC080] =	vst v63  }
0x4f: {  	_ = 	snop  }
0x50: {  	[tilespmem:s24], [sflag:$0x1] =	stream.indirect_vreg.gather [hbm4b:s5+s2], $0x80, v3, vm0, $0xb8;
	[tilespmem:$0xC080] =	vst v63  }
0x51: {  	v3 =	vld [tilespmem:$0x30];
	_ =	sdelay $0x4  }
0x52: {  	v63 =	vshrl.u32 v3, $0x3  }
0x53: {  	v4 =	vmul.u32 $0x30, v63  }
0x54: {  	v3 =	vand.u32 $0x7, v3  }
0x55: {  	v3 =	vor.u32 v3, v4  }
0x56: {  	v4 =	vperm.xlane v3, v0;
	_ =	sdelay $0x1  }
0x57: {  	v4 =	vadd.s32 v1, v4;
	_ =	sdelay $0x3  }
0x58: {  	v3 =	vperm.xlane v3, v2  }
0x59: {  	[tilespmem:s25], [sflag:$0x1] =	stream.indirect_vreg.gather [hbm4b:s3+s2], $0x80, v4, vm0, $0xb8;
	[tilespmem:$0xC080] =	vst v63  }
0x5a: {  	v3 =	vadd.s32 v1, v3  }
0x5b: {  	[tilespmem:s26], [sflag:$0x1] =	stream.indirect_vreg.gather [hbm4b:s4+s2], $0x80, v4, vm0, $0xb8;
	[tilespmem:$0xC080] =	vst v63  }
0x5c: {  	_ = 	snop  }
0x5d: {  	[tilespmem:s28], [sflag:$0x1] =	stream.indirect_vreg.gather [hbm4b:s5+s2], $0x80, v4, vm0, $0xb8;
	[tilespmem:$0xC080] =	vst v63  }
0x5e: {  	_ = 	snop  }
0x5f: {  	[tilespmem:s29], [sflag:$0x1] =	stream.indirect_vreg.gather [hbm4b:s3+s2], $0x80, v3, vm0, $0xb8;
	[tilespmem:$0xC080] =	vst v63  }
0x60: {  	_ = 	snop  }
0x61: {  	[tilespmem:s30], [sflag:$0x1] =	stream.indirect_vreg.gather [hbm4b:s4+s2], $0x80, v3, vm0, $0xb8;
	[tilespmem:$0xC080] =	vst v63  }
0x62: {  	_ = 	snop  }
0x63: {  	[tilespmem:s31], [sflag:$0x1] =	stream.indirect_vreg.gather [hbm4b:s5+s2], $0x80, v3, vm0, $0xb8;
	[tilespmem:$0xC080] =	vst v63  }
0x64: {  	_ =	swait.ge [sflag:s0], $0xC000  }
0x65: {  	p0 =	sne.s32 s6, $0x1;
	[sflag:s0] =	ssyncset.done $0x0  }
.Ltmp0:
0x66: {  	s1 =	rddreg [dreg:$0x4];
	[sflag:s0] =	ssyncadd.s32 $0xFFFF4000;
	(pc) =	sbr.rel @p0 .LBB2_1-.Ltmp0, $4  }
0x67: {  	[hbm4b:s1+s2] =	stream.linear.scatter [tilespmem:s8], [sflag:$0x2], $0xC000, $0x38;
	[tilespmem:$0xC080] =	vst v63  }
0x68: {  	_ =	swait.ge [sflag:s7], $0xC000  }
0x69: {  	[sflag:s7] =	ssyncset.done $0x0  }
0x6a: {  	s6 =	sadd.s32 $0xFFFFFFFF, s6;
	[sflag:s7] =	ssyncadd.s32 $0xFFFF4000  }
0x6b: {  	_ =	sfence.sel $0x180000  }
0x6c: {  	[bflag:$0x0] =	sbarrier.arrive $0xFFFF  }
0x6d: {  	_ =	strace $0x9000004A  }
0x6e: {  	s0 =	stileid.u32;
	[bflag:$0x2] =	sbarrier.arrive $0xFFFF  }
0x6f: {  	p0 =	sne.s32 s0, $0x0;
	s0 =	rddreg [dreg:$0x2]  }
0x70: {  	s0 =	sadd.s32 @!p0 $0x100000, s0  }
0x71: {  	[sflag:s0] =	ssyncadd.tile.s32 @!p0 $0x1;
	_ =	shalt  }
.Lfunc_end2:
_tile_overlayer_lowered:
.L_overlay_start_2:
0x72: {  	(tag) =	ssettag $0x2  }
0x73: {  	s0 =	rddreg [dreg:$0x0];
	s2 =	stileid.u32  }
0x74: {  	s1 =	rddreg [dreg:$0x1];
	p0 =	sne.s32 s2, $0x0  }
0x75: {  	s3 =	rddreg [dreg:$0x2];
	[bflag:$0x3] =	sbarrier.arrive $0xFFFF;
	s2 =	simm.s32 @!p0 $0x1C02  }
0x76: {  	[timem:s3], [sflag:s2] =	dma.local @!p0 [hbm:s0], s1  }
0x77: {  	s0 =	simm.s32 @!p0 $0x2  }
0x78: {  	_ =	swait.ge @!p0 [sflag:s0], s1  }
0x79: {  	s1 =	ssub.s32 @!p0 $0x0, s1;
	[sflag:s0] =	ssyncset.done @!p0 $0x0  }
0x7a: {  	[sflag:s0] =	ssyncadd.s32 @!p0 s1  }
0x7b: {  	[bflag:$0x3] =	sbarrier.arrive $0xFFFF  }
0x7c: {  	_ =	shalt  }

</sc_bundles>
